<compile_context>
chip_gen: v7x
topology: tpu7x:2x2x1
jax: 0.10.2.dev20260603
libtpu: 0.0.44.dev20260713+nightly
codegen_flags: <defaults>
</compile_context>

<pallas_src>
import functools

import jax
import jax.numpy as jnp
from jax import lax
from jax.experimental import pallas as pl
from jax.experimental.pallas import tpu as pltpu
from jax.experimental.pallas import tpu_sc as plsc

_K = 20
_IB = 256
_CH = 128
_RC = 256


def _knn_kernel(xb_ref, xcol_ref, w_ref, idx_ref, a_ref, z_ref):
    b = pl.program_id(0)
    xb = xb_ref[0]
    xcol = xcol_ref[0]

    @pl.when(pl.program_id(1) == 0)
    def _project():
        d = xb.shape[1]
        w1 = w_ref[:, :d]
        w2 = w_ref[:, d:]
        a_ref[0] = lax.dot_general(xb, w1 - w2, (((1,), (1,)), ((), ())),
                                   preferred_element_type=jnp.float32)
        z_ref[0] = lax.dot_general(xb, w2, (((1,), (1,)), ((), ())),
                                   preferred_element_type=jnp.float32)

    p = xb.shape[1]
    ib = xcol.shape[1]
    g = lax.dot_general(xcol, xb, (((0,), (0,)), ((), ())),
                        preferred_element_type=jnp.float32)
    sq_row = jnp.sum(xb * xb, axis=0, keepdims=True)
    ones = jnp.ones((xb.shape[0], 1), dtype=jnp.float32)
    sq_col = lax.dot_general(xcol * xcol, ones, (((0,), (0,)), ((), ())),
                             preferred_element_type=jnp.float32)
    v = (sq_col + sq_row) - 2.0 * g
    lane = lax.broadcasted_iota(jnp.int32, (ib, p), 1)
    cols = []
    m = jnp.min(v, axis=1, keepdims=True)
    for _t in range(_K):
        am = jnp.min(jnp.where(v <= m, lane, p), axis=1, keepdims=True)
        cols.append(am)
        if _t + 1 < _K:
            v = jnp.where(lane == am, jnp.float32(jnp.inf), v)
            m = jnp.min(v, axis=1, keepdims=True)
    idx_blk = jnp.concatenate(cols, axis=1).astype(jnp.float32)
    ii = lax.broadcasted_iota(jnp.int32, (_K, _K), 0)
    jj = lax.broadcasted_iota(jnp.int32, (_K, _K), 1)
    eye = (ii == jj).astype(jnp.float32)
    idx_t = lax.dot_general(eye, idx_blk, (((1,), (1,)), ((), ())),
                            precision=lax.Precision.HIGHEST,
                            preferred_element_type=jnp.float32)
    idx_ref[0] = idx_t.astype(jnp.int32) + b * p


def _sc_gather(idx1, zf, af, tot, p):
    info = plsc.get_sparse_core_info()
    nw = info.num_cores * info.num_subcores
    rpw = tot // nw
    ncpw = rpw // _RC
    mesh = plsc.VectorSubcoreMesh(core_axis_name="c", subcore_axis_name="s")

    @functools.partial(
        pl.kernel, mesh=mesh,
        out_type=(jax.ShapeDtypeStruct((tot, 64), jnp.float32),
                  jax.ShapeDtypeStruct((nw, 128), jnp.float32)),
        compiler_params=pltpu.CompilerParams(use_tc_tiling_on_sc=False),
        scratch_types=[
            pltpu.VMEM((rpw,), jnp.int32),
            pltpu.VMEM((_RC, 64), jnp.float32),
            pltpu.VMEM((_RC, 64), jnp.float32),
            pltpu.VMEM((_RC, 64), jnp.float32),
            pltpu.VMEM((_RC, 64), jnp.float32),
            pltpu.VMEM((1, 128), jnp.float32),
            pltpu.SemaphoreType.DMA,
            pltpu.SemaphoreType.DMA,
            pltpu.SemaphoreType.DMA,
            pltpu.SemaphoreType.DMA,
        ],
    )
    def gather(idx_hbm, z_hbm, a_hbm, out_hbm, st_hbm,
               idx_v, rv0, rv1, av0, av1, stats_v, gsem0, gsem1, osem0, osem1):
        wid = lax.axis_index("s") * info.num_cores + lax.axis_index("c")
        pltpu.sync_copy(idx_hbm.at[pl.ds(wid * rpw, rpw)], idx_v)
        rbufs, abufs = (rv0, rv1), (av0, av1)
        gsems, osems = (gsem0, gsem1), (osem0, osem1)
        out_cps = [None, None]

        def make_add_body(rv, av):
            def add_body(j, carry):
                acc = list(carry)
                for c4 in range(4):
                    sl = pl.ds(c4 * 16, 16)
                    v = rv[j, sl] + av[j, sl]
                    rv[j, sl] = v
                    acc[c4] = acc[c4] + v
                    acc[4 + c4] = acc[4 + c4] + v * v
                return tuple(acc)
            return add_body

        def fire_chunk(t):
            rv, av = rbufs[t % 2], abufs[t % 2]
            rbase = (wid * ncpw + t) * _RC
            a_off = (rbase // (p * _K)) * p + rbase % p
            cps = [
                pltpu.async_copy(
                    z_hbm.at[idx_v.at[pl.ds(t * _RC + c * _CH, _CH)]],
                    rv.at[pl.ds(c * _CH, _CH)], gsems[t % 2])
                for c in range(_RC // _CH)
            ]
            cps.append(pltpu.async_copy(a_hbm.at[pl.ds(a_off, _RC)], av,
                                        gsems[t % 2]))
            return cps

        zeros = jnp.zeros((16,), jnp.float32)
        acc = (zeros,) * 8
        in_cps = {0: fire_chunk(0)}
        for t in range(ncpw):
            rv, av = rbufs[t % 2], abufs[t % 2]
            rbase = (wid * ncpw + t) * _RC
            for cp in in_cps.pop(t):
                cp.wait()
            if t + 1 < ncpw:
                if out_cps[(t + 1) % 2] is not None:
                    out_cps[(t + 1) % 2].wait()
                    out_cps[(t + 1) % 2] = None
                in_cps[t + 1] = fire_chunk(t + 1)
            acc = lax.fori_loop(0, _RC, make_add_body(rv, av), acc)
            out_cps[t % 2] = pltpu.async_copy(
                rv, out_hbm.at[pl.ds(rbase, _RC)], osems[t % 2])
        for cp in out_cps:
            if cp is not None:
                cp.wait()
        for c4 in range(4):
            stats_v[0, pl.ds(c4 * 16, 16)] = acc[c4]
            stats_v[0, pl.ds(64 + c4 * 16, 16)] = acc[4 + c4]
        pltpu.sync_copy(stats_v, st_hbm.at[pl.ds(wid, 1)])

    return gather(idx1, zf, af)


def _norm_kernel(y_ref, st_ref, g_ref, bt_ref, o_ref, *, n):
    ii = lax.broadcasted_iota(jnp.int32, (64, 64), 0)
    jj = lax.broadcasted_iota(jnp.int32, (64, 64), 1)
    eye = (ii == jj).astype(jnp.float32)
    part = jnp.sum(st_ref[...], axis=0, keepdims=True)
    mean_r = part[:, 0:64] * (1.0 / n)
    var_r = part[:, 64:128] * (1.0 / n) - mean_r * mean_r
    scl_r = g_ref[...] / jnp.sqrt(var_r + 1e-5)
    bias_r = bt_ref[...] - mean_r * scl_r
    scl_c = lax.dot_general(eye, scl_r, (((1,), (1,)), ((), ())),
                            precision=lax.Precision.HIGHEST,
                            preferred_element_type=jnp.float32)
    bias_c = lax.dot_general(eye, bias_r, (((1,), (1,)), ((), ())),
                             precision=lax.Precision.HIGHEST,
                             preferred_element_type=jnp.float32)
    for kk in range(y_ref.shape[1]):
        y = y_ref[0, kk]
        yt = lax.dot_general(eye, y, (((1,), (1,)), ((), ())),
                             precision=lax.Precision.HIGHEST,
                             preferred_element_type=jnp.float32)
        o_ref[0, kk] = jnp.maximum(yt * scl_c + bias_c, jnp.float32(0.0))


def kernel(x, W, gamma, beta, k):
    del k
    B, P, D = x.shape
    kn = _K
    tot = B * P * kn

    idxT, a_, z_ = pl.pallas_call(
        _knn_kernel,
        grid=(B, P // _IB),
        in_specs=[
            pl.BlockSpec((1, P, D), lambda b, i: (b, 0, 0)),
            pl.BlockSpec((1, P, _IB), lambda b, i: (b, 0, i)),
            pl.BlockSpec((64, 2 * D), lambda b, i: (0, 0)),
        ],
        out_specs=[
            pl.BlockSpec((1, kn, _IB), lambda b, i: (b, 0, i)),
            pl.BlockSpec((1, P, 64), lambda b, i: (b, 0, 0)),
            pl.BlockSpec((1, P, 64), lambda b, i: (b, 0, 0)),
        ],
        out_shape=[
            jax.ShapeDtypeStruct((B, kn, P), jnp.int32),
            jax.ShapeDtypeStruct((B, P, 64), jnp.float32),
            jax.ShapeDtypeStruct((B, P, 64), jnp.float32),
        ],
    )(x, x, W)

    ypre, stats = _sc_gather(idxT.reshape(tot),
                             z_.reshape(B * P, 64), a_.reshape(B * P, 64),
                             tot, P)

    out4 = pl.pallas_call(
        functools.partial(_norm_kernel, n=float(tot)),
        grid=(B, kn // 4),
        in_specs=[
            pl.BlockSpec((1, 4, P, 64), lambda b, c: (b, c, 0, 0)),
            pl.BlockSpec(stats.shape, lambda b, c: (0, 0)),
            pl.BlockSpec((1, 64), lambda b, c: (0, 0)),
            pl.BlockSpec((1, 64), lambda b, c: (0, 0)),
        ],
        out_specs=pl.BlockSpec((1, 4, 64, P), lambda b, c: (b, c, 0, 0)),
        out_shape=jax.ShapeDtypeStruct((B, kn, 64, P), jnp.float32),
    )(ypre.reshape(B, kn, P, 64), stats,
      gamma.reshape(1, 64), beta.reshape(1, 64))

    return out4.transpose(0, 2, 3, 1)

# --- scband reference (transcript-rebuilt; emitter-appended) ---
"""Pipeline reference for scband-edge-conv-27547920237121 (READ-ONLY COPY).

The authoritative reference and input builder live on the scoring server;
editing this copy changes nothing except your own understanding.
"""

import jax, jax.numpy as jnp
import numpy as np


def setup_inputs(seed: int = 0) -> dict:
    key = jax.random.key(seed)
    k1, k2 = jax.random.split(key)
    # NOTE: the original module is only shape-consistent when num_points == num_dims,
    # because cdist is computed over [B, num_dims, num_points] rows but the gathered
    # features are reshaped to [B, num_points, k, num_dims]. So x is [B, n, n].
    x = jax.random.normal(k1, (2, 1024, 1024), dtype=jnp.float32)
    # Conv2d(2*in_channels, out_channels, kernel_size=1, bias=False) weight -> [64, 2048]
    W = jax.random.normal(k2, (64, 2048), dtype=jnp.float32) * (1.0 / np.sqrt(2048.0))
    gamma = jnp.ones((64,), dtype=jnp.float32)   # BatchNorm2d weight
    beta = jnp.zeros((64,), dtype=jnp.float32)   # BatchNorm2d bias
    return {"x": x, "W": W, "gamma": gamma, "beta": beta, "k": 20}


def reference(x, W, gamma, beta, k):
    B, P, D = x.shape  # P == D by construction (see setup_inputs note)
    K = 20  # static value always supplied by setup_inputs; traced k folded in below
    xt = jnp.transpose(x, (0, 2, 1))  # [B, D, P]
    # torch.cdist(xt, xt) -> Euclidean distances [B, D, D]; top-k smallest ordering is
    # identical under squared distances (monotone sqrt), which avoids sqrt(0) issues.
    sq = jnp.sum(xt * xt, axis=-1)  # [B, D]
    d2 = sq[:, :, None] + sq[:, None, :] - 2.0 * jnp.einsum('bip,bjp->bij', xt, xt)
    d2 = jax.lax.stop_gradient(d2)
    _, idx = jax.lax.top_k(-d2, K)  # k smallest -> idx [B, D, K]
    idx = idx + (k - K)  # exact zero offset; preserves dependence on traced k
    idx_base = (jnp.arange(B) * P).reshape(-1, 1, 1)
    idx_flat = (idx + idx_base).reshape(-1)  # values in [0, B*P)
    # x.permute(0,2,1) applied twice returns the original layout [B, P, D]
    feature = x.reshape(B * P, D)[idx_flat, :].reshape(B, P, K, D)
    x_exp = jnp.broadcast_to(x[:, :, None, :], (B, P, K, D))
    edge_feature = jnp.concatenate([x_exp, feature - x_exp], axis=3)  # [B, P, K, 2D]
    ef = jnp.transpose(edge_feature, (0, 3, 1, 2))  # [B, 2D, P, K]
    # 1x1 Conv2d without bias == channel-mixing einsum
    y = jnp.einsum('oc,bchw->bohw', W, ef)  # [B, 64, P, K]
    # BatchNorm2d in training mode: batch statistics over (N, H, W) per channel
    mean = jnp.mean(y, axis=(0, 2, 3), keepdims=True)
    var = jnp.var(y, axis=(0, 2, 3), keepdims=True)
    yn = (y - mean) / jnp.sqrt(var + 1e-5)
    yn = yn * gamma.reshape(1, -1, 1, 1) + beta.reshape(1, -1, 1, 1)
    return jax.nn.relu(yn)

if __name__ == "__main__":
    import jax
    _d = setup_inputs()
    print(jax.jit(kernel)(*tuple(_d.values())))

</pallas_src>

<mosaic_0001>
#map = affine_map<(d0, d1) -> (0)>
#map1 = affine_map<(d0, d1) -> (0, 0)>
module attributes {stable_mosaic.version = 14 : i64} {
  func.func @gather(%arg0: i32, %arg1: i32, %arg2: memref<40960xi32, #tpu.memory_space<hbm>>, %arg3: memref<2048x64xf32, #tpu.memory_space<hbm>>, %arg4: memref<2048x64xf32, #tpu.memory_space<hbm>>, %arg5: memref<40960x64xf32, #tpu.memory_space<hbm>>, %arg6: memref<32x128xf32, #tpu.memory_space<hbm>>, %arg7: memref<1280xi32, #tpu.memory_space<vmem>>, %arg8: memref<256x64xf32, #tpu.memory_space<vmem>>, %arg9: memref<256x64xf32, #tpu.memory_space<vmem>>, %arg10: memref<256x64xf32, #tpu.memory_space<vmem>>, %arg11: memref<256x64xf32, #tpu.memory_space<vmem>>, %arg12: memref<1x128xf32, #tpu.memory_space<vmem>>, %arg13: memref<!tpu.dma_semaphore, #tpu.memory_space<semaphore_mem>>, %arg14: memref<!tpu.dma_semaphore, #tpu.memory_space<semaphore_mem>>, %arg15: memref<!tpu.dma_semaphore, #tpu.memory_space<semaphore_mem>>, %arg16: memref<!tpu.dma_semaphore, #tpu.memory_space<semaphore_mem>>) attributes {dimension_semantics = [#tpu.dimension_semantics<core_parallel>, #tpu.dimension_semantics<subcore_parallel>], iteration_bounds = array<i64: 2, 16>, scalar_prefetch = 0 : i64, scratch_operands = 10 : i64, tpu.core_type = #tpu.core_type<sc_vector_subcore>, window_params = [{transform_indices = #map}, {transform_indices = #map1}, {transform_indices = #map1}, {transform_indices = #map1}, {transform_indices = #map1}]} {
    %mul3A = arith.constant 2 : i32
    %mul3A_0 = arith.muli %arg1, %mul3A : i32
    %add3A = arith.addi %mul3A_0, %arg0 : i32
    %mul3A_1 = arith.constant 1280 : i32
    %mul3A_2 = arith.muli %add3A, %mul3A_1 : i32
    "tpu.region"() ({
      %run_scoped3A = tpu.sem_alloc : memref<!tpu.dma_semaphore, #tpu.memory_space<semaphore_mem>>
      %dma_start3A_583 = tpu.memref_slice %arg2[%mul3A_2] : memref<40960xi32, #tpu.memory_space<hbm>> -> memref<1280xi32, #tpu.memory_space<hbm>>
      %dma_start3A_584 = tpu.memref_slice %arg2[%mul3A_2] : memref<40960xi32, #tpu.memory_space<hbm>> -> memref<1280xi32, #tpu.memory_space<hbm>>
      tpu.enqueue_dma source(%dma_start3A_584 : memref<1280xi32, #tpu.memory_space<hbm>>) target(%arg7 : memref<1280xi32, #tpu.memory_space<vmem>>) target_semaphore(%run_scoped3A : memref<!tpu.dma_semaphore, #tpu.memory_space<semaphore_mem>>)
      %dma_wait3A_585 = tpu.memref_slice %arg2[%mul3A_2] : memref<40960xi32, #tpu.memory_space<hbm>> -> memref<1280xi32, #tpu.memory_space<hbm>>
      %dma_wait3A_586 = tpu.memref_slice %arg2[%mul3A_2] : memref<40960xi32, #tpu.memory_space<hbm>> -> memref<1280xi32, #tpu.memory_space<hbm>>
      tpu.wait_dma2 semaphore(%run_scoped3A : memref<!tpu.dma_semaphore, #tpu.memory_space<semaphore_mem>>) src(%dma_wait3A_586 : memref<1280xi32, #tpu.memory_space<hbm>>) dst(%arg7 : memref<1280xi32, #tpu.memory_space<vmem>>)
      tpu.yield
    }) : () -> ()
    %broadcast_in_dim3A = arith.constant 0.000000e+00 : f32
    %broadcast_in_dim3A_3 = vector.broadcast %broadcast_in_dim3A : f32 to vector<16xf32>
    %mul3A_4 = arith.constant 5 : i32
    %mul3A_5 = arith.muli %add3A, %mul3A_4 : i32
    %add3A_6 = arith.constant 0 : i32
    %add3A_7 = arith.addi %mul3A_5, %add3A_6 : i32
    %mul3A_8 = arith.constant 256 : i32
    %mul3A_9 = arith.muli %add3A_7, %mul3A_8 : i32
    %jit3A = arith.constant 20480 : i32
    %div3A = arith.divsi %mul3A_9, %jit3A : i32
    %sign3A = arith.constant 0 : i32
    %sign3A_10 = arith.cmpi sgt, %mul3A_9, %sign3A : i32
    %sign3A_11 = arith.extui %sign3A_10 : i1 to i32
    %sign3A_12 = arith.constant 0 : i32
    %sign3A_13 = arith.cmpi slt, %mul3A_9, %sign3A_12 : i32
    %sign3A_14 = arith.extui %sign3A_13 : i1 to i32
    %sign3A_15 = arith.subi %sign3A_11, %sign3A_14 : i32
    %sign3A_16 = arith.constant 0 : i32
    %sign3A_17 = arith.cmpi sgt, %jit3A, %sign3A_16 : i32
    %sign3A_18 = arith.extui %sign3A_17 : i1 to i32
    %sign3A_19 = arith.constant 0 : i32
    %sign3A_20 = arith.cmpi slt, %jit3A, %sign3A_19 : i32
    %sign3A_21 = arith.extui %sign3A_20 : i1 to i32
    %sign3A_22 = arith.subi %sign3A_18, %sign3A_21 : i32
    %ne3A = arith.cmpi ne, %sign3A_15, %sign3A_22 : i32
    %rem3A = arith.remsi %mul3A_9, %jit3A : i32
    %ne3A_23 = arith.constant 0 : i32
    %ne3A_24 = arith.cmpi ne, %rem3A, %ne3A_23 : i32
    %and3A = arith.andi %ne3A, %ne3A_24 : i1
    %sub3A = arith.constant 1 : i32
    %sub3A_25 = arith.subi %div3A, %sub3A : i32
    %select_n3A = arith.select %and3A, %sub3A_25, %div3A : i32
    %mul3A_26 = arith.constant 1024 : i32
    %mul3A_27 = arith.muli %select_n3A, %mul3A_26 : i32
    %jit3A_28 = arith.constant 1024 : i32
    %eq3A = arith.constant 0 : i32
    %eq3A_29 = arith.cmpi eq, %jit3A_28, %eq3A : i32
    %jit3A_30 = arith.constant 1 : i32
    %select_n3A_31 = arith.select %eq3A_29, %jit3A_30, %jit3A_28 : i32
    %rem3A_32 = arith.remsi %mul3A_9, %select_n3A_31 : i32
    %ne3A_33 = arith.constant 0 : i32
    %ne3A_34 = arith.cmpi ne, %rem3A_32, %ne3A_33 : i32
    %lt3A = arith.constant 0 : i32
    %lt3A_35 = arith.cmpi slt, %rem3A_32, %lt3A : i32
    %lt3A_36 = arith.constant 0 : i32
    %lt3A_37 = arith.cmpi slt, %select_n3A_31, %lt3A_36 : i32
    %ne3A_38 = arith.xori %lt3A_35, %lt3A_37 : i1
    %and3A_39 = arith.andi %ne3A_38, %ne3A_34 : i1
    %add3A_40 = arith.addi %rem3A_32, %select_n3A_31 : i32
    %select_n3A_41 = arith.select %and3A_39, %add3A_40, %rem3A_32 : i32
    %add3A_42 = arith.addi %mul3A_27, %select_n3A_41 : i32
    %dma_start3A = arith.constant 0 : i32
    %dma_start3A_43 = arith.constant 0 : i32
    %dma_start3A_44 = tpu.memref_slice %arg8[%dma_start3A, %dma_start3A_43] : memref<256x64xf32, #tpu.memory_space<vmem>> -> memref<128x64xf32, #tpu.memory_space<vmem>>
    %dma_start3A_45 = arith.constant 0 : i32
    %dma_start3A_46 = tpu.memref_slice %arg7[%dma_start3A_45] : memref<1280xi32, #tpu.memory_space<vmem>> -> memref<128xi32, #tpu.memory_space<vmem>>
    %dma_start3A_47 = arith.constant 0 : i32
    %dma_start3A_48 = arith.constant 0 : i32
    %dma_start3A_49 = tpu.memref_slice %arg3[%dma_start3A_47, %dma_start3A_48] : memref<2048x64xf32, #tpu.memory_space<hbm>> -> memref<2048x64xf32, #tpu.memory_space<hbm>>
    tpu.enqueue_indirect_dma source(%dma_start3A_49 : memref<2048x64xf32, #tpu.memory_space<hbm>>) target(%dma_start3A_44 : memref<128x64xf32, #tpu.memory_space<vmem>>) offsets(%dma_start3A_46 : memref<128xi32, #tpu.memory_space<vmem>>) semaphore(%arg13 : memref<!tpu.dma_semaphore, #tpu.memory_space<semaphore_mem>>)
    %dma_start3A_50 = arith.constant 128 : i32
    %dma_start3A_51 = arith.constant 0 : i32
    %dma_start3A_52 = tpu.memref_slice %arg8[%dma_start3A_50, %dma_start3A_51] : memref<256x64xf32, #tpu.memory_space<vmem>> -> memref<128x64xf32, #tpu.memory_space<vmem>>
    %dma_start3A_53 = arith.constant 128 : i32
    %dma_start3A_54 = tpu.memref_slice %arg7[%dma_start3A_53] : memref<1280xi32, #tpu.memory_space<vmem>> -> memref<128xi32, #tpu.memory_space<vmem>>
    %dma_start3A_55 = arith.constant 0 : i32
    %dma_start3A_56 = arith.constant 0 : i32
    %dma_start3A_57 = tpu.memref_slice %arg3[%dma_start3A_55, %dma_start3A_56] : memref<2048x64xf32, #tpu.memory_space<hbm>> -> memref<2048x64xf32, #tpu.memory_space<hbm>>
    tpu.enqueue_indirect_dma source(%dma_start3A_57 : memref<2048x64xf32, #tpu.memory_space<hbm>>) target(%dma_start3A_52 : memref<128x64xf32, #tpu.memory_space<vmem>>) offsets(%dma_start3A_54 : memref<128xi32, #tpu.memory_space<vmem>>) semaphore(%arg13 : memref<!tpu.dma_semaphore, #tpu.memory_space<semaphore_mem>>)
    %dma_start3A_58 = arith.constant 0 : i32
    %dma_start3A_59 = tpu.memref_slice %arg4[%add3A_42, %dma_start3A_58] : memref<2048x64xf32, #tpu.memory_space<hbm>> -> memref<256x64xf32, #tpu.memory_space<hbm>>
    %dma_start3A_60 = arith.constant 0 : i32
    %dma_start3A_61 = tpu.memref_slice %arg4[%add3A_42, %dma_start3A_60] : memref<2048x64xf32, #tpu.memory_space<hbm>> -> memref<256x64xf32, #tpu.memory_space<hbm>>
    tpu.enqueue_dma source(%dma_start3A_61 : memref<256x64xf32, #tpu.memory_space<hbm>>) target(%arg10 : memref<256x64xf32, #tpu.memory_space<vmem>>) target_semaphore(%arg13 : memref<!tpu.dma_semaphore, #tpu.memory_space<semaphore_mem>>)
    %mul3A_62 = arith.constant 5 : i32
    %mul3A_63 = arith.muli %add3A, %mul3A_62 : i32
    %add3A_64 = arith.constant 0 : i32
    %add3A_65 = arith.addi %mul3A_63, %add3A_64 : i32
    %mul3A_66 = arith.constant 256 : i32
    %mul3A_67 = arith.muli %add3A_65, %mul3A_66 : i32
    %dma_wait3A = arith.constant 0 : i32
    %dma_wait3A_68 = arith.constant 0 : i32
    %dma_wait3A_69 = tpu.memref_slice %arg8[%dma_wait3A, %dma_wait3A_68] : memref<256x64xf32, #tpu.memory_space<vmem>> -> memref<128x64xf32, #tpu.memory_space<vmem>>
    %dma_wait3A_70 = arith.constant 0 : i32
    %dma_wait3A_71 = tpu.memref_slice %arg7[%dma_wait3A_70] : memref<1280xi32, #tpu.memory_space<vmem>> -> memref<128xi32, #tpu.memory_space<vmem>>
    %dma_wait3A_72 = arith.constant 0 : i32
    %dma_wait3A_73 = arith.constant 0 : i32
    %dma_wait3A_74 = tpu.memref_slice %arg3[%dma_wait3A_72, %dma_wait3A_73] : memref<2048x64xf32, #tpu.memory_space<hbm>> -> memref<2048x64xf32, #tpu.memory_space<hbm>>
    tpu.wait_indirect_dma semaphore(%arg13 : memref<!tpu.dma_semaphore, #tpu.memory_space<semaphore_mem>>) src(%dma_wait3A_74 : memref<2048x64xf32, #tpu.memory_space<hbm>>) dst(%dma_wait3A_69 : memref<128x64xf32, #tpu.memory_space<vmem>>)
    %dma_wait3A_75 = arith.constant 128 : i32
    %dma_wait3A_76 = arith.constant 0 : i32
    %dma_wait3A_77 = tpu.memref_slice %arg8[%dma_wait3A_75, %dma_wait3A_76] : memref<256x64xf32, #tpu.memory_space<vmem>> -> memref<128x64xf32, #tpu.memory_space<vmem>>
    %dma_wait3A_78 = arith.constant 128 : i32
    %dma_wait3A_79 = tpu.memref_slice %arg7[%dma_wait3A_78] : memref<1280xi32, #tpu.memory_space<vmem>> -> memref<128xi32, #tpu.memory_space<vmem>>
    %dma_wait3A_80 = arith.constant 0 : i32
    %dma_wait3A_81 = arith.constant 0 : i32
    %dma_wait3A_82 = tpu.memref_slice %arg3[%dma_wait3A_80, %dma_wait3A_81] : memref<2048x64xf32, #tpu.memory_space<hbm>> -> memref<2048x64xf32, #tpu.memory_space<hbm>>
    tpu.wait_indirect_dma semaphore(%arg13 : memref<!tpu.dma_semaphore, #tpu.memory_space<semaphore_mem>>) src(%dma_wait3A_82 : memref<2048x64xf32, #tpu.memory_space<hbm>>) dst(%dma_wait3A_77 : memref<128x64xf32, #tpu.memory_space<vmem>>)
    %dma_wait3A_83 = arith.constant 0 : i32
    %dma_wait3A_84 = tpu.memref_slice %arg4[%add3A_42, %dma_wait3A_83] : memref<2048x64xf32, #tpu.memory_space<hbm>> -> memref<256x64xf32, #tpu.memory_space<hbm>>
    %dma_wait3A_85 = arith.constant 0 : i32
    %dma_wait3A_86 = tpu.memref_slice %arg4[%add3A_42, %dma_wait3A_85] : memref<2048x64xf32, #tpu.memory_space<hbm>> -> memref<256x64xf32, #tpu.memory_space<hbm>>
    tpu.wait_dma2 semaphore(%arg13 : memref<!tpu.dma_semaphore, #tpu.memory_space<semaphore_mem>>) src(%dma_wait3A_86 : memref<256x64xf32, #tpu.memory_space<hbm>>) dst(%arg10 : memref<256x64xf32, #tpu.memory_space<vmem>>)
    %mul3A_87 = arith.constant 5 : i32
    %mul3A_88 = arith.muli %add3A, %mul3A_87 : i32
    %add3A_89 = arith.constant 1 : i32
    %add3A_90 = arith.addi %mul3A_88, %add3A_89 : i32
    %mul3A_91 = arith.constant 256 : i32
    %mul3A_92 = arith.muli %add3A_90, %mul3A_91 : i32
    %jit3A_93 = arith.constant 20480 : i32
    %div3A_94 = arith.divsi %mul3A_92, %jit3A_93 : i32
    %sign3A_95 = arith.constant 0 : i32
    %sign3A_96 = arith.cmpi sgt, %mul3A_92, %sign3A_95 : i32
    %sign3A_97 = arith.extui %sign3A_96 : i1 to i32
    %sign3A_98 = arith.constant 0 : i32
    %sign3A_99 = arith.cmpi slt, %mul3A_92, %sign3A_98 : i32
    %sign3A_100 = arith.extui %sign3A_99 : i1 to i32
    %sign3A_101 = arith.subi %sign3A_97, %sign3A_100 : i32
    %sign3A_102 = arith.constant 0 : i32
    %sign3A_103 = arith.cmpi sgt, %jit3A_93, %sign3A_102 : i32
    %sign3A_104 = arith.extui %sign3A_103 : i1 to i32
    %sign3A_105 = arith.constant 0 : i32
    %sign3A_106 = arith.cmpi slt, %jit3A_93, %sign3A_105 : i32
    %sign3A_107 = arith.extui %sign3A_106 : i1 to i32
    %sign3A_108 = arith.subi %sign3A_104, %sign3A_107 : i32
    %ne3A_109 = arith.cmpi ne, %sign3A_101, %sign3A_108 : i32
    %rem3A_110 = arith.remsi %mul3A_92, %jit3A_93 : i32
    %ne3A_111 = arith.constant 0 : i32
    %ne3A_112 = arith.cmpi ne, %rem3A_110, %ne3A_111 : i32
    %and3A_113 = arith.andi %ne3A_109, %ne3A_112 : i1
    %sub3A_114 = arith.constant 1 : i32
    %sub3A_115 = arith.subi %div3A_94, %sub3A_114 : i32
    %select_n3A_116 = arith.select %and3A_113, %sub3A_115, %div3A_94 : i32
    %mul3A_117 = arith.constant 1024 : i32
    %mul3A_118 = arith.muli %select_n3A_116, %mul3A_117 : i32
    %jit3A_119 = arith.constant 1024 : i32
    %eq3A_120 = arith.constant 0 : i32
    %eq3A_121 = arith.cmpi eq, %jit3A_119, %eq3A_120 : i32
    %jit3A_122 = arith.constant 1 : i32
    %select_n3A_123 = arith.select %eq3A_121, %jit3A_122, %jit3A_119 : i32
    %rem3A_124 = arith.remsi %mul3A_92, %select_n3A_123 : i32
    %ne3A_125 = arith.constant 0 : i32
    %ne3A_126 = arith.cmpi ne, %rem3A_124, %ne3A_125 : i32
    %lt3A_127 = arith.constant 0 : i32
    %lt3A_128 = arith.cmpi slt, %rem3A_124, %lt3A_127 : i32
    %lt3A_129 = arith.constant 0 : i32
    %lt3A_130 = arith.cmpi slt, %select_n3A_123, %lt3A_129 : i32
    %ne3A_131 = arith.xori %lt3A_128, %lt3A_130 : i1
    %and3A_132 = arith.andi %ne3A_131, %ne3A_126 : i1
    %add3A_133 = arith.addi %rem3A_124, %select_n3A_123 : i32
    %select_n3A_134 = arith.select %and3A_132, %add3A_133, %rem3A_124 : i32
    %add3A_135 = arith.addi %mul3A_118, %select_n3A_134 : i32
    %dma_start3A_136 = arith.constant 0 : i32
    %dma_start3A_137 = arith.constant 0 : i32
    %dma_start3A_138 = tpu.memref_slice %arg9[%dma_start3A_136, %dma_start3A_137] : memref<256x64xf32, #tpu.memory_space<vmem>> -> memref<128x64xf32, #tpu.memory_space<vmem>>
    %dma_start3A_139 = arith.constant 256 : i32
    %dma_start3A_140 = tpu.memref_slice %arg7[%dma_start3A_139] : memref<1280xi32, #tpu.memory_space<vmem>> -> memref<128xi32, #tpu.memory_space<vmem>>
    %dma_start3A_141 = arith.constant 0 : i32
    %dma_start3A_142 = arith.constant 0 : i32
    %dma_start3A_143 = tpu.memref_slice %arg3[%dma_start3A_141, %dma_start3A_142] : memref<2048x64xf32, #tpu.memory_space<hbm>> -> memref<2048x64xf32, #tpu.memory_space<hbm>>
    tpu.enqueue_indirect_dma source(%dma_start3A_143 : memref<2048x64xf32, #tpu.memory_space<hbm>>) target(%dma_start3A_138 : memref<128x64xf32, #tpu.memory_space<vmem>>) offsets(%dma_start3A_140 : memref<128xi32, #tpu.memory_space<vmem>>) semaphore(%arg14 : memref<!tpu.dma_semaphore, #tpu.memory_space<semaphore_mem>>)
    %dma_start3A_144 = arith.constant 128 : i32
    %dma_start3A_145 = arith.constant 0 : i32
    %dma_start3A_146 = tpu.memref_slice %arg9[%dma_start3A_144, %dma_start3A_145] : memref<256x64xf32, #tpu.memory_space<vmem>> -> memref<128x64xf32, #tpu.memory_space<vmem>>
    %dma_start3A_147 = arith.constant 384 : i32
    %dma_start3A_148 = tpu.memref_slice %arg7[%dma_start3A_147] : memref<1280xi32, #tpu.memory_space<vmem>> -> memref<128xi32, #tpu.memory_space<vmem>>
    %dma_start3A_149 = arith.constant 0 : i32
    %dma_start3A_150 = arith.constant 0 : i32
    %dma_start3A_151 = tpu.memref_slice %arg3[%dma_start3A_149, %dma_start3A_150] : memref<2048x64xf32, #tpu.memory_space<hbm>> -> memref<2048x64xf32, #tpu.memory_space<hbm>>
    tpu.enqueue_indirect_dma source(%dma_start3A_151 : memref<2048x64xf32, #tpu.memory_space<hbm>>) target(%dma_start3A_146 : memref<128x64xf32, #tpu.memory_space<vmem>>) offsets(%dma_start3A_148 : memref<128xi32, #tpu.memory_space<vmem>>) semaphore(%arg14 : memref<!tpu.dma_semaphore, #tpu.memory_space<semaphore_mem>>)
    %dma_start3A_152 = arith.constant 0 : i32
    %dma_start3A_153 = tpu.memref_slice %arg4[%add3A_135, %dma_start3A_152] : memref<2048x64xf32, #tpu.memory_space<hbm>> -> memref<256x64xf32, #tpu.memory_space<hbm>>
    %dma_start3A_154 = arith.constant 0 : i32
    %dma_start3A_155 = tpu.memref_slice %arg4[%add3A_135, %dma_start3A_154] : memref<2048x64xf32, #tpu.memory_space<hbm>> -> memref<256x64xf32, #tpu.memory_space<hbm>>
    tpu.enqueue_dma source(%dma_start3A_155 : memref<256x64xf32, #tpu.memory_space<hbm>>) target(%arg11 : memref<256x64xf32, #tpu.memory_space<vmem>>) target_semaphore(%arg14 : memref<!tpu.dma_semaphore, #tpu.memory_space<semaphore_mem>>)
    %scan3A = arith.constant 0 : i32
    %scan3A_156 = arith.constant 256 : i32
    %scan3A_157 = arith.addi %scan3A, %scan3A_156 : i32
    %scan3A_158 = arith.constant 1 : i32
    %scan3A_159:8 = scf.for %scan3A_583 = %scan3A to %scan3A_157 step %scan3A_158 iter_args(%scan3A_584 = %broadcast_in_dim3A_3, %scan3A_585 = %broadcast_in_dim3A_3, %scan3A_586 = %broadcast_in_dim3A_3, %scan3A_587 = %broadcast_in_dim3A_3, %scan3A_588 = %broadcast_in_dim3A_3, %scan3A_589 = %broadcast_in_dim3A_3, %scan3A_590 = %broadcast_in_dim3A_3, %scan3A_591 = %broadcast_in_dim3A_3) -> (vector<16xf32>, vector<16xf32>, vector<16xf32>, vector<16xf32>, vector<16xf32>, vector<16xf32>, vector<16xf32>, vector<16xf32>)  : i32 {
      %get3A = arith.index_cast %scan3A_583 : i32 to index
      %get3A_592 = arith.constant 0 : index
      %get3A_593 = tpu.vector_load %arg8[%get3A, %get3A_592] {strides = array<i32>} : memref<256x64xf32, #tpu.memory_space<vmem>>, vector<1x16xf32>,
      %get3A_594 = vector.shape_cast %get3A_593 : vector<1x16xf32> to vector<16xf32>
      %get3A_595 = arith.index_cast %scan3A_583 : i32 to index
      %get3A_596 = arith.constant 0 : index
      %get3A_597 = tpu.vector_load %arg10[%get3A_595, %get3A_596] {strides = array<i32>} : memref<256x64xf32, #tpu.memory_space<vmem>>, vector<1x16xf32>,
      %get3A_598 = vector.shape_cast %get3A_597 : vector<1x16xf32> to vector<16xf32>
      %add3A_599 = arith.addf %get3A_594, %get3A_598 : vector<16xf32>
      %swap3A_600 = arith.index_cast %scan3A_583 : i32 to index
      %swap3A_601 = arith.constant 0 : index
      %swap3A_602 = tpu.vector_load %arg8[%swap3A_600, %swap3A_601] {strides = array<i32>} : memref<256x64xf32, #tpu.memory_space<vmem>>, vector<1x16xf32>,
      %swap3A_603 = vector.shape_cast %swap3A_602 : vector<1x16xf32> to vector<16xf32>
      %swap3A_604 = vector.shape_cast %add3A_599 : vector<16xf32> to vector<1x16xf32>
      tpu.vector_store %arg8[%swap3A_600, %swap3A_601], %swap3A_604 {strides = array<i32>} : memref<256x64xf32, #tpu.memory_space<vmem>>, vector<1x16xf32>,
      %add3A_605 = arith.addf %scan3A_584, %add3A_599 : vector<16xf32>
      %mul3A_606 = arith.mulf %add3A_599, %add3A_599 : vector<16xf32>
      %add3A_607 = arith.addf %scan3A_588, %mul3A_606 : vector<16xf32>
      %get3A_608 = arith.index_cast %scan3A_583 : i32 to index
      %get3A_609 = arith.constant 16 : index
      %get3A_610 = tpu.vector_load %arg8[%get3A_608, %get3A_609] {strides = array<i32>} : memref<256x64xf32, #tpu.memory_space<vmem>>, vector<1x16xf32>,
      %get3A_611 = vector.shape_cast %get3A_610 : vector<1x16xf32> to vector<16xf32>
      %get3A_612 = arith.index_cast %scan3A_583 : i32 to index
      %get3A_613 = arith.constant 16 : index
      %get3A_614 = tpu.vector_load %arg10[%get3A_612, %get3A_613] {strides = array<i32>} : memref<256x64xf32, #tpu.memory_space<vmem>>, vector<1x16xf32>,
      %get3A_615 = vector.shape_cast %get3A_614 : vector<1x16xf32> to vector<16xf32>
      %add3A_616 = arith.addf %get3A_611, %get3A_615 : vector<16xf32>
      %swap3A_617 = arith.index_cast %scan3A_583 : i32 to index
      %swap3A_618 = arith.constant 16 : index
      %swap3A_619 = tpu.vector_load %arg8[%swap3A_617, %swap3A_618] {strides = array<i32>} : memref<256x64xf32, #tpu.memory_space<vmem>>, vector<1x16xf32>,
      %swap3A_620 = vector.shape_cast %swap3A_619 : vector<1x16xf32> to vector<16xf32>
      %swap3A_621 = vector.shape_cast %add3A_616 : vector<16xf32> to vector<1x16xf32>
      tpu.vector_store %arg8[%swap3A_617, %swap3A_618], %swap3A_621 {strides = array<i32>} : memref<256x64xf32, #tpu.memory_space<vmem>>, vector<1x16xf32>,
      %add3A_622 = arith.addf %scan3A_585, %add3A_616 : vector<16xf32>
      %mul3A_623 = arith.mulf %add3A_616, %add3A_616 : vector<16xf32>
      %add3A_624 = arith.addf %scan3A_589, %mul3A_623 : vector<16xf32>
      %get3A_625 = arith.index_cast %scan3A_583 : i32 to index
      %get3A_626 = arith.constant 32 : index
      %get3A_627 = tpu.vector_load %arg8[%get3A_625, %get3A_626] {strides = array<i32>} : memref<256x64xf32, #tpu.memory_space<vmem>>, vector<1x16xf32>,
      %get3A_628 = vector.shape_cast %get3A_627 : vector<1x16xf32> to vector<16xf32>
      %get3A_629 = arith.index_cast %scan3A_583 : i32 to index
      %get3A_630 = arith.constant 32 : index
      %get3A_631 = tpu.vector_load %arg10[%get3A_629, %get3A_630] {strides = array<i32>} : memref<256x64xf32, #tpu.memory_space<vmem>>, vector<1x16xf32>,
      %get3A_632 = vector.shape_cast %get3A_631 : vector<1x16xf32> to vector<16xf32>
      %add3A_633 = arith.addf %get3A_628, %get3A_632 : vector<16xf32>
      %swap3A_634 = arith.index_cast %scan3A_583 : i32 to index
      %swap3A_635 = arith.constant 32 : index
      %swap3A_636 = tpu.vector_load %arg8[%swap3A_634, %swap3A_635] {strides = array<i32>} : memref<256x64xf32, #tpu.memory_space<vmem>>, vector<1x16xf32>,
      %swap3A_637 = vector.shape_cast %swap3A_636 : vector<1x16xf32> to vector<16xf32>
      %swap3A_638 = vector.shape_cast %add3A_633 : vector<16xf32> to vector<1x16xf32>
      tpu.vector_store %arg8[%swap3A_634, %swap3A_635], %swap3A_638 {strides = array<i32>} : memref<256x64xf32, #tpu.memory_space<vmem>>, vector<1x16xf32>,
      %add3A_639 = arith.addf %scan3A_586, %add3A_633 : vector<16xf32>
      %mul3A_640 = arith.mulf %add3A_633, %add3A_633 : vector<16xf32>
      %add3A_641 = arith.addf %scan3A_590, %mul3A_640 : vector<16xf32>
      %get3A_642 = arith.index_cast %scan3A_583 : i32 to index
      %get3A_643 = arith.constant 48 : index
      %get3A_644 = tpu.vector_load %arg8[%get3A_642, %get3A_643] {strides = array<i32>} : memref<256x64xf32, #tpu.memory_space<vmem>>, vector<1x16xf32>,
      %get3A_645 = vector.shape_cast %get3A_644 : vector<1x16xf32> to vector<16xf32>
      %get3A_646 = arith.index_cast %scan3A_583 : i32 to index
      %get3A_647 = arith.constant 48 : index
      %get3A_648 = tpu.vector_load %arg10[%get3A_646, %get3A_647] {strides = array<i32>} : memref<256x64xf32, #tpu.memory_space<vmem>>, vector<1x16xf32>,
      %get3A_649 = vector.shape_cast %get3A_648 : vector<1x16xf32> to vector<16xf32>
      %add3A_650 = arith.addf %get3A_645, %get3A_649 : vector<16xf32>
      %swap3A_651 = arith.index_cast %scan3A_583 : i32 to index
      %swap3A_652 = arith.constant 48 : index
      %swap3A_653 = tpu.vector_load %arg8[%swap3A_651, %swap3A_652] {strides = array<i32>} : memref<256x64xf32, #tpu.memory_space<vmem>>, vector<1x16xf32>,
      %swap3A_654 = vector.shape_cast %swap3A_653 : vector<1x16xf32> to vector<16xf32>
      %swap3A_655 = vector.shape_cast %add3A_650 : vector<16xf32> to vector<1x16xf32>
      tpu.vector_store %arg8[%swap3A_651, %swap3A_652], %swap3A_655 {strides = array<i32>} : memref<256x64xf32, #tpu.memory_space<vmem>>, vector<1x16xf32>,
      %add3A_656 = arith.addf %scan3A_587, %add3A_650 : vector<16xf32>
      %mul3A_657 = arith.mulf %add3A_650, %add3A_650 : vector<16xf32>
      %add3A_658 = arith.addf %scan3A_591, %mul3A_657 : vector<16xf32>
      scf.yield %add3A_605, %add3A_622, %add3A_639, %add3A_656, %add3A_607, %add3A_624, %add3A_641, %add3A_658 : vector<16xf32>, vector<16xf32>, vector<16xf32>, vector<16xf32>, vector<16xf32>, vector<16xf32>, vector<16xf32>, vector<16xf32>
    }
    %scan3A_160 = arith.constant 256 : i32
    %dma_start3A_161 = arith.constant 0 : i32
    %dma_start3A_162 = tpu.memref_slice %arg5[%mul3A_67, %dma_start3A_161] : memref<40960x64xf32, #tpu.memory_space<hbm>> -> memref<256x64xf32, #tpu.memory_space<hbm>>
    %dma_start3A_163 = arith.constant 0 : i32
    %dma_start3A_164 = tpu.memref_slice %arg5[%mul3A_67, %dma_start3A_163] : memref<40960x64xf32, #tpu.memory_space<hbm>> -> memref<256x64xf32, #tpu.memory_space<hbm>>
    tpu.enqueue_dma source(%arg8 : memref<256x64xf32, #tpu.memory_space<vmem>>) target(%dma_start3A_164 : memref<256x64xf32, #tpu.memory_space<hbm>>) target_semaphore(%arg15 : memref<!tpu.dma_semaphore, #tpu.memory_space<semaphore_mem>>)
    %mul3A_165 = arith.constant 5 : i32
    %mul3A_166 = arith.muli %add3A, %mul3A_165 : i32
    %add3A_167 = arith.constant 1 : i32
    %add3A_168 = arith.addi %mul3A_166, %add3A_167 : i32
    %mul3A_169 = arith.constant 256 : i32
    %mul3A_170 = arith.muli %add3A_168, %mul3A_169 : i32
    %dma_wait3A_171 = arith.constant 0 : i32
    %dma_wait3A_172 = arith.constant 0 : i32
    %dma_wait3A_173 = tpu.memref_slice %arg9[%dma_wait3A_171, %dma_wait3A_172] : memref<256x64xf32, #tpu.memory_space<vmem>> -> memref<128x64xf32, #tpu.memory_space<vmem>>
    %dma_wait3A_174 = arith.constant 256 : i32
    %dma_wait3A_175 = tpu.memref_slice %arg7[%dma_wait3A_174] : memref<1280xi32, #tpu.memory_space<vmem>> -> memref<128xi32, #tpu.memory_space<vmem>>
    %dma_wait3A_176 = arith.constant 0 : i32
    %dma_wait3A_177 = arith.constant 0 : i32
    %dma_wait3A_178 = tpu.memref_slice %arg3[%dma_wait3A_176, %dma_wait3A_177] : memref<2048x64xf32, #tpu.memory_space<hbm>> -> memref<2048x64xf32, #tpu.memory_space<hbm>>
    tpu.wait_indirect_dma semaphore(%arg14 : memref<!tpu.dma_semaphore, #tpu.memory_space<semaphore_mem>>) src(%dma_wait3A_178 : memref<2048x64xf32, #tpu.memory_space<hbm>>) dst(%dma_wait3A_173 : memref<128x64xf32, #tpu.memory_space<vmem>>)
    %dma_wait3A_179 = arith.constant 128 : i32
    %dma_wait3A_180 = arith.constant 0 : i32
    %dma_wait3A_181 = tpu.memref_slice %arg9[%dma_wait3A_179, %dma_wait3A_180] : memref<256x64xf32, #tpu.memory_space<vmem>> -> memref<128x64xf32, #tpu.memory_space<vmem>>
    %dma_wait3A_182 = arith.constant 384 : i32
    %dma_wait3A_183 = tpu.memref_slice %arg7[%dma_wait3A_182] : memref<1280xi32, #tpu.memory_space<vmem>> -> memref<128xi32, #tpu.memory_space<vmem>>
    %dma_wait3A_184 = arith.constant 0 : i32
    %dma_wait3A_185 = arith.constant 0 : i32
    %dma_wait3A_186 = tpu.memref_slice %arg3[%dma_wait3A_184, %dma_wait3A_185] : memref<2048x64xf32, #tpu.memory_space<hbm>> -> memref<2048x64xf32, #tpu.memory_space<hbm>>
    tpu.wait_indirect_dma semaphore(%arg14 : memref<!tpu.dma_semaphore, #tpu.memory_space<semaphore_mem>>) src(%dma_wait3A_186 : memref<2048x64xf32, #tpu.memory_space<hbm>>) dst(%dma_wait3A_181 : memref<128x64xf32, #tpu.memory_space<vmem>>)
    %dma_wait3A_187 = arith.constant 0 : i32
    %dma_wait3A_188 = tpu.memref_slice %arg4[%add3A_135, %dma_wait3A_187] : memref<2048x64xf32, #tpu.memory_space<hbm>> -> memref<256x64xf32, #tpu.memory_space<hbm>>
    %dma_wait3A_189 = arith.constant 0 : i32
    %dma_wait3A_190 = tpu.memref_slice %arg4[%add3A_135, %dma_wait3A_189] : memref<2048x64xf32, #tpu.memory_space<hbm>> -> memref<256x64xf32, #tpu.memory_space<hbm>>
    tpu.wait_dma2 semaphore(%arg14 : memref<!tpu.dma_semaphore, #tpu.memory_space<semaphore_mem>>) src(%dma_wait3A_190 : memref<256x64xf32, #tpu.memory_space<hbm>>) dst(%arg11 : memref<256x64xf32, #tpu.memory_space<vmem>>)
    %dma_wait3A_191 = arith.constant 0 : i32
    %dma_wait3A_192 = tpu.memref_slice %arg5[%mul3A_67, %dma_wait3A_191] : memref<40960x64xf32, #tpu.memory_space<hbm>> -> memref<256x64xf32, #tpu.memory_space<hbm>>
    %dma_wait3A_193 = arith.constant 0 : i32
    %dma_wait3A_194 = tpu.memref_slice %arg5[%mul3A_67, %dma_wait3A_193] : memref<40960x64xf32, #tpu.memory_space<hbm>> -> memref<256x64xf32, #tpu.memory_space<hbm>>
    tpu.wait_dma2 semaphore(%arg15 : memref<!tpu.dma_semaphore, #tpu.memory_space<semaphore_mem>>) src(%arg8 : memref<256x64xf32, #tpu.memory_space<vmem>>) dst(%dma_wait3A_194 : memref<256x64xf32, #tpu.memory_space<hbm>>)
    %mul3A_195 = arith.constant 5 : i32
    %mul3A_196 = arith.muli %add3A, %mul3A_195 : i32
    %add3A_197 = arith.constant 2 : i32
    %add3A_198 = arith.addi %mul3A_196, %add3A_197 : i32
    %mul3A_199 = arith.constant 256 : i32
    %mul3A_200 = arith.muli %add3A_198, %mul3A_199 : i32
    %jit3A_201 = arith.constant 20480 : i32
    %div3A_202 = arith.divsi %mul3A_200, %jit3A_201 : i32
    %sign3A_203 = arith.constant 0 : i32
    %sign3A_204 = arith.cmpi sgt, %mul3A_200, %sign3A_203 : i32
    %sign3A_205 = arith.extui %sign3A_204 : i1 to i32
    %sign3A_206 = arith.constant 0 : i32
    %sign3A_207 = arith.cmpi slt, %mul3A_200, %sign3A_206 : i32
    %sign3A_208 = arith.extui %sign3A_207 : i1 to i32
    %sign3A_209 = arith.subi %sign3A_205, %sign3A_208 : i32
    %sign3A_210 = arith.constant 0 : i32
    %sign3A_211 = arith.cmpi sgt, %jit3A_201, %sign3A_210 : i32
    %sign3A_212 = arith.extui %sign3A_211 : i1 to i32
    %sign3A_213 = arith.constant 0 : i32
    %sign3A_214 = arith.cmpi slt, %jit3A_201, %sign3A_213 : i32
    %sign3A_215 = arith.extui %sign3A_214 : i1 to i32
    %sign3A_216 = arith.subi %sign3A_212, %sign3A_215 : i32
    %ne3A_217 = arith.cmpi ne, %sign3A_209, %sign3A_216 : i32
    %rem3A_218 = arith.remsi %mul3A_200, %jit3A_201 : i32
    %ne3A_219 = arith.constant 0 : i32
    %ne3A_220 = arith.cmpi ne, %rem3A_218, %ne3A_219 : i32
    %and3A_221 = arith.andi %ne3A_217, %ne3A_220 : i1
    %sub3A_222 = arith.constant 1 : i32
    %sub3A_223 = arith.subi %div3A_202, %sub3A_222 : i32
    %select_n3A_224 = arith.select %and3A_221, %sub3A_223, %div3A_202 : i32
    %mul3A_225 = arith.constant 1024 : i32
    %mul3A_226 = arith.muli %select_n3A_224, %mul3A_225 : i32
    %jit3A_227 = arith.constant 1024 : i32
    %eq3A_228 = arith.constant 0 : i32
    %eq3A_229 = arith.cmpi eq, %jit3A_227, %eq3A_228 : i32
    %jit3A_230 = arith.constant 1 : i32
    %select_n3A_231 = arith.select %eq3A_229, %jit3A_230, %jit3A_227 : i32
    %rem3A_232 = arith.remsi %mul3A_200, %select_n3A_231 : i32
    %ne3A_233 = arith.constant 0 : i32
    %ne3A_234 = arith.cmpi ne, %rem3A_232, %ne3A_233 : i32
    %lt3A_235 = arith.constant 0 : i32
    %lt3A_236 = arith.cmpi slt, %rem3A_232, %lt3A_235 : i32
    %lt3A_237 = arith.constant 0 : i32
    %lt3A_238 = arith.cmpi slt, %select_n3A_231, %lt3A_237 : i32
    %ne3A_239 = arith.xori %lt3A_236, %lt3A_238 : i1
    %and3A_240 = arith.andi %ne3A_239, %ne3A_234 : i1
    %add3A_241 = arith.addi %rem3A_232, %select_n3A_231 : i32
    %select_n3A_242 = arith.select %and3A_240, %add3A_241, %rem3A_232 : i32
    %add3A_243 = arith.addi %mul3A_226, %select_n3A_242 : i32
    %dma_start3A_244 = arith.constant 0 : i32
    %dma_start3A_245 = arith.constant 0 : i32
    %dma_start3A_246 = tpu.memref_slice %arg8[%dma_start3A_244, %dma_start3A_245] : memref<256x64xf32, #tpu.memory_space<vmem>> -> memref<128x64xf32, #tpu.memory_space<vmem>>
    %dma_start3A_247 = arith.constant 512 : i32
    %dma_start3A_248 = tpu.memref_slice %arg7[%dma_start3A_247] : memref<1280xi32, #tpu.memory_space<vmem>> -> memref<128xi32, #tpu.memory_space<vmem>>
    %dma_start3A_249 = arith.constant 0 : i32
    %dma_start3A_250 = arith.constant 0 : i32
    %dma_start3A_251 = tpu.memref_slice %arg3[%dma_start3A_249, %dma_start3A_250] : memref<2048x64xf32, #tpu.memory_space<hbm>> -> memref<2048x64xf32, #tpu.memory_space<hbm>>
    tpu.enqueue_indirect_dma source(%dma_start3A_251 : memref<2048x64xf32, #tpu.memory_space<hbm>>) target(%dma_start3A_246 : memref<128x64xf32, #tpu.memory_space<vmem>>) offsets(%dma_start3A_248 : memref<128xi32, #tpu.memory_space<vmem>>) semaphore(%arg13 : memref<!tpu.dma_semaphore, #tpu.memory_space<semaphore_mem>>)
    %dma_start3A_252 = arith.constant 128 : i32
    %dma_start3A_253 = arith.constant 0 : i32
    %dma_start3A_254 = tpu.memref_slice %arg8[%dma_start3A_252, %dma_start3A_253] : memref<256x64xf32, #tpu.memory_space<vmem>> -> memref<128x64xf32, #tpu.memory_space<vmem>>
    %dma_start3A_255 = arith.constant 640 : i32
    %dma_start3A_256 = tpu.memref_slice %arg7[%dma_start3A_255] : memref<1280xi32, #tpu.memory_space<vmem>> -> memref<128xi32, #tpu.memory_space<vmem>>
    %dma_start3A_257 = arith.constant 0 : i32
    %dma_start3A_258 = arith.constant 0 : i32
    %dma_start3A_259 = tpu.memref_slice %arg3[%dma_start3A_257, %dma_start3A_258] : memref<2048x64xf32, #tpu.memory_space<hbm>> -> memref<2048x64xf32, #tpu.memory_space<hbm>>
    tpu.enqueue_indirect_dma source(%dma_start3A_259 : memref<2048x64xf32, #tpu.memory_space<hbm>>) target(%dma_start3A_254 : memref<128x64xf32, #tpu.memory_space<vmem>>) offsets(%dma_start3A_256 : memref<128xi32, #tpu.memory_space<vmem>>) semaphore(%arg13 : memref<!tpu.dma_semaphore, #tpu.memory_space<semaphore_mem>>)
    %dma_start3A_260 = arith.constant 0 : i32
    %dma_start3A_261 = tpu.memref_slice %arg4[%add3A_243, %dma_start3A_260] : memref<2048x64xf32, #tpu.memory_space<hbm>> -> memref<256x64xf32, #tpu.memory_space<hbm>>
    %dma_start3A_262 = arith.constant 0 : i32
    %dma_start3A_263 = tpu.memref_slice %arg4[%add3A_243, %dma_start3A_262] : memref<2048x64xf32, #tpu.memory_space<hbm>> -> memref<256x64xf32, #tpu.memory_space<hbm>>
    tpu.enqueue_dma source(%dma_start3A_263 : memref<256x64xf32, #tpu.memory_space<hbm>>) target(%arg10 : memref<256x64xf32, #tpu.memory_space<vmem>>) target_semaphore(%arg13 : memref<!tpu.dma_semaphore, #tpu.memory_space<semaphore_mem>>)
    %scan3A_264 = arith.constant 0 : i32
    %scan3A_265 = arith.constant 256 : i32
    %scan3A_266 = arith.addi %scan3A_264, %scan3A_265 : i32
    %scan3A_267 = arith.constant 1 : i32
    %scan3A_268:8 = scf.for %scan3A_583 = %scan3A_264 to %scan3A_266 step %scan3A_267 iter_args(%scan3A_584 = %scan3A_159#0, %scan3A_585 = %scan3A_159#1, %scan3A_586 = %scan3A_159#2, %scan3A_587 = %scan3A_159#3, %scan3A_588 = %scan3A_159#4, %scan3A_589 = %scan3A_159#5, %scan3A_590 = %scan3A_159#6, %scan3A_591 = %scan3A_159#7) -> (vector<16xf32>, vector<16xf32>, vector<16xf32>, vector<16xf32>, vector<16xf32>, vector<16xf32>, vector<16xf32>, vector<16xf32>)  : i32 {
      %get3A = arith.index_cast %scan3A_583 : i32 to index
      %get3A_592 = arith.constant 0 : index
      %get3A_593 = tpu.vector_load %arg9[%get3A, %get3A_592] {strides = array<i32>} : memref<256x64xf32, #tpu.memory_space<vmem>>, vector<1x16xf32>,
      %get3A_594 = vector.shape_cast %get3A_593 : vector<1x16xf32> to vector<16xf32>
      %get3A_595 = arith.index_cast %scan3A_583 : i32 to index
      %get3A_596 = arith.constant 0 : index
      %get3A_597 = tpu.vector_load %arg11[%get3A_595, %get3A_596] {strides = array<i32>} : memref<256x64xf32, #tpu.memory_space<vmem>>, vector<1x16xf32>,
      %get3A_598 = vector.shape_cast %get3A_597 : vector<1x16xf32> to vector<16xf32>
      %add3A_599 = arith.addf %get3A_594, %get3A_598 : vector<16xf32>
      %swap3A_600 = arith.index_cast %scan3A_583 : i32 to index
      %swap3A_601 = arith.constant 0 : index
      %swap3A_602 = tpu.vector_load %arg9[%swap3A_600, %swap3A_601] {strides = array<i32>} : memref<256x64xf32, #tpu.memory_space<vmem>>, vector<1x16xf32>,
      %swap3A_603 = vector.shape_cast %swap3A_602 : vector<1x16xf32> to vector<16xf32>
      %swap3A_604 = vector.shape_cast %add3A_599 : vector<16xf32> to vector<1x16xf32>
      tpu.vector_store %arg9[%swap3A_600, %swap3A_601], %swap3A_604 {strides = array<i32>} : memref<256x64xf32, #tpu.memory_space<vmem>>, vector<1x16xf32>,
      %add3A_605 = arith.addf %scan3A_584, %add3A_599 : vector<16xf32>
      %mul3A_606 = arith.mulf %add3A_599, %add3A_599 : vector<16xf32>
      %add3A_607 = arith.addf %scan3A_588, %mul3A_606 : vector<16xf32>
      %get3A_608 = arith.index_cast %scan3A_583 : i32 to index
      %get3A_609 = arith.constant 16 : index
      %get3A_610 = tpu.vector_load %arg9[%get3A_608, %get3A_609] {strides = array<i32>} : memref<256x64xf32, #tpu.memory_space<vmem>>, vector<1x16xf32>,
      %get3A_611 = vector.shape_cast %get3A_610 : vector<1x16xf32> to vector<16xf32>
      %get3A_612 = arith.index_cast %scan3A_583 : i32 to index
      %get3A_613 = arith.constant 16 : index
      %get3A_614 = tpu.vector_load %arg11[%get3A_612, %get3A_613] {strides = array<i32>} : memref<256x64xf32, #tpu.memory_space<vmem>>, vector<1x16xf32>,
      %get3A_615 = vector.shape_cast %get3A_614 : vector<1x16xf32> to vector<16xf32>
      %add3A_616 = arith.addf %get3A_611, %get3A_615 : vector<16xf32>
      %swap3A_617 = arith.index_cast %scan3A_583 : i32 to index
      %swap3A_618 = arith.constant 16 : index
      %swap3A_619 = tpu.vector_load %arg9[%swap3A_617, %swap3A_618] {strides = array<i32>} : memref<256x64xf32, #tpu.memory_space<vmem>>, vector<1x16xf32>,
      %swap3A_620 = vector.shape_cast %swap3A_619 : vector<1x16xf32> to vector<16xf32>
      %swap3A_621 = vector.shape_cast %add3A_616 : vector<16xf32> to vector<1x16xf32>
      tpu.vector_store %arg9[%swap3A_617, %swap3A_618], %swap3A_621 {strides = array<i32>} : memref<256x64xf32, #tpu.memory_space<vmem>>, vector<1x16xf32>,
      %add3A_622 = arith.addf %scan3A_585, %add3A_616 : vector<16xf32>
      %mul3A_623 = arith.mulf %add3A_616, %add3A_616 : vector<16xf32>
      %add3A_624 = arith.addf %scan3A_589, %mul3A_623 : vector<16xf32>
      %get3A_625 = arith.index_cast %scan3A_583 : i32 to index
      %get3A_626 = arith.constant 32 : index
      %get3A_627 = tpu.vector_load %arg9[%get3A_625, %get3A_626] {strides = array<i32>} : memref<256x64xf32, #tpu.memory_space<vmem>>, vector<1x16xf32>,
      %get3A_628 = vector.shape_cast %get3A_627 : vector<1x16xf32> to vector<16xf32>
      %get3A_629 = arith.index_cast %scan3A_583 : i32 to index
      %get3A_630 = arith.constant 32 : index
      %get3A_631 = tpu.vector_load %arg11[%get3A_629, %get3A_630] {strides = array<i32>} : memref<256x64xf32, #tpu.memory_space<vmem>>, vector<1x16xf32>,
      %get3A_632 = vector.shape_cast %get3A_631 : vector<1x16xf32> to vector<16xf32>
      %add3A_633 = arith.addf %get3A_628, %get3A_632 : vector<16xf32>
      %swap3A_634 = arith.index_cast %scan3A_583 : i32 to index
      %swap3A_635 = arith.constant 32 : index
      %swap3A_636 = tpu.vector_load %arg9[%swap3A_634, %swap3A_635] {strides = array<i32>} : memref<256x64xf32, #tpu.memory_space<vmem>>, vector<1x16xf32>,
      %swap3A_637 = vector.shape_cast %swap3A_636 : vector<1x16xf32> to vector<16xf32>
      %swap3A_638 = vector.shape_cast %add3A_633 : vector<16xf32> to vector<1x16xf32>
      tpu.vector_store %arg9[%swap3A_634, %swap3A_635], %swap3A_638 {strides = array<i32>} : memref<256x64xf32, #tpu.memory_space<vmem>>, vector<1x16xf32>,
      %add3A_639 = arith.addf %scan3A_586, %add3A_633 : vector<16xf32>
      %mul3A_640 = arith.mulf %add3A_633, %add3A_633 : vector<16xf32>
      %add3A_641 = arith.addf %scan3A_590, %mul3A_640 : vector<16xf32>
      %get3A_642 = arith.index_cast %scan3A_583 : i32 to index
      %get3A_643 = arith.constant 48 : index
      %get3A_644 = tpu.vector_load %arg9[%get3A_642, %get3A_643] {strides = array<i32>} : memref<256x64xf32, #tpu.memory_space<vmem>>, vector<1x16xf32>,
      %get3A_645 = vector.shape_cast %get3A_644 : vector<1x16xf32> to vector<16xf32>
      %get3A_646 = arith.index_cast %scan3A_583 : i32 to index
      %get3A_647 = arith.constant 48 : index
      %get3A_648 = tpu.vector_load %arg11[%get3A_646, %get3A_647] {strides = array<i32>} : memref<256x64xf32, #tpu.memory_space<vmem>>, vector<1x16xf32>,
      %get3A_649 = vector.shape_cast %get3A_648 : vector<1x16xf32> to vector<16xf32>
      %add3A_650 = arith.addf %get3A_645, %get3A_649 : vector<16xf32>
      %swap3A_651 = arith.index_cast %scan3A_583 : i32 to index
      %swap3A_652 = arith.constant 48 : index
      %swap3A_653 = tpu.vector_load %arg9[%swap3A_651, %swap3A_652] {strides = array<i32>} : memref<256x64xf32, #tpu.memory_space<vmem>>, vector<1x16xf32>,
      %swap3A_654 = vector.shape_cast %swap3A_653 : vector<1x16xf32> to vector<16xf32>
      %swap3A_655 = vector.shape_cast %add3A_650 : vector<16xf32> to vector<1x16xf32>
      tpu.vector_store %arg9[%swap3A_651, %swap3A_652], %swap3A_655 {strides = array<i32>} : memref<256x64xf32, #tpu.memory_space<vmem>>, vector<1x16xf32>,
      %add3A_656 = arith.addf %scan3A_587, %add3A_650 : vector<16xf32>
      %mul3A_657 = arith.mulf %add3A_650, %add3A_650 : vector<16xf32>
      %add3A_658 = arith.addf %scan3A_591, %mul3A_657 : vector<16xf32>
      scf.yield %add3A_605, %add3A_622, %add3A_639, %add3A_656, %add3A_607, %add3A_624, %add3A_641, %add3A_658 : vector<16xf32>, vector<16xf32>, vector<16xf32>, vector<16xf32>, vector<16xf32>, vector<16xf32>, vector<16xf32>, vector<16xf32>
    }
    %scan3A_269 = arith.constant 256 : i32
    %dma_start3A_270 = arith.constant 0 : i32
    %dma_start3A_271 = tpu.memref_slice %arg5[%mul3A_170, %dma_start3A_270] : memref<40960x64xf32, #tpu.memory_space<hbm>> -> memref<256x64xf32, #tpu.memory_space<hbm>>
    %dma_start3A_272 = arith.constant 0 : i32
    %dma_start3A_273 = tpu.memref_slice %arg5[%mul3A_170, %dma_start3A_272] : memref<40960x64xf32, #tpu.memory_space<hbm>> -> memref<256x64xf32, #tpu.memory_space<hbm>>
    tpu.enqueue_dma source(%arg9 : memref<256x64xf32, #tpu.memory_space<vmem>>) target(%dma_start3A_273 : memref<256x64xf32, #tpu.memory_space<hbm>>) target_semaphore(%arg16 : memref<!tpu.dma_semaphore, #tpu.memory_space<semaphore_mem>>)
    %mul3A_274 = arith.constant 5 : i32
    %mul3A_275 = arith.muli %add3A, %mul3A_274 : i32
    %add3A_276 = arith.constant 2 : i32
    %add3A_277 = arith.addi %mul3A_275, %add3A_276 : i32
    %mul3A_278 = arith.constant 256 : i32
    %mul3A_279 = arith.muli %add3A_277, %mul3A_278 : i32
    %dma_wait3A_280 = arith.constant 0 : i32
    %dma_wait3A_281 = arith.constant 0 : i32
    %dma_wait3A_282 = tpu.memref_slice %arg8[%dma_wait3A_280, %dma_wait3A_281] : memref<256x64xf32, #tpu.memory_space<vmem>> -> memref<128x64xf32, #tpu.memory_space<vmem>>
    %dma_wait3A_283 = arith.constant 512 : i32
    %dma_wait3A_284 = tpu.memref_slice %arg7[%dma_wait3A_283] : memref<1280xi32, #tpu.memory_space<vmem>> -> memref<128xi32, #tpu.memory_space<vmem>>
    %dma_wait3A_285 = arith.constant 0 : i32
    %dma_wait3A_286 = arith.constant 0 : i32
    %dma_wait3A_287 = tpu.memref_slice %arg3[%dma_wait3A_285, %dma_wait3A_286] : memref<2048x64xf32, #tpu.memory_space<hbm>> -> memref<2048x64xf32, #tpu.memory_space<hbm>>
    tpu.wait_indirect_dma semaphore(%arg13 : memref<!tpu.dma_semaphore, #tpu.memory_space<semaphore_mem>>) src(%dma_wait3A_287 : memref<2048x64xf32, #tpu.memory_space<hbm>>) dst(%dma_wait3A_282 : memref<128x64xf32, #tpu.memory_space<vmem>>)
    %dma_wait3A_288 = arith.constant 128 : i32
    %dma_wait3A_289 = arith.constant 0 : i32
    %dma_wait3A_290 = tpu.memref_slice %arg8[%dma_wait3A_288, %dma_wait3A_289] : memref<256x64xf32, #tpu.memory_space<vmem>> -> memref<128x64xf32, #tpu.memory_space<vmem>>
    %dma_wait3A_291 = arith.constant 640 : i32
    %dma_wait3A_292 = tpu.memref_slice %arg7[%dma_wait3A_291] : memref<1280xi32, #tpu.memory_space<vmem>> -> memref<128xi32, #tpu.memory_space<vmem>>
    %dma_wait3A_293 = arith.constant 0 : i32
    %dma_wait3A_294 = arith.constant 0 : i32
    %dma_wait3A_295 = tpu.memref_slice %arg3[%dma_wait3A_293, %dma_wait3A_294] : memref<2048x64xf32, #tpu.memory_space<hbm>> -> memref<2048x64xf32, #tpu.memory_space<hbm>>
    tpu.wait_indirect_dma semaphore(%arg13 : memref<!tpu.dma_semaphore, #tpu.memory_space<semaphore_mem>>) src(%dma_wait3A_295 : memref<2048x64xf32, #tpu.memory_space<hbm>>) dst(%dma_wait3A_290 : memref<128x64xf32, #tpu.memory_space<vmem>>)
    %dma_wait3A_296 = arith.constant 0 : i32
    %dma_wait3A_297 = tpu.memref_slice %arg4[%add3A_243, %dma_wait3A_296] : memref<2048x64xf32, #tpu.memory_space<hbm>> -> memref<256x64xf32, #tpu.memory_space<hbm>>
    %dma_wait3A_298 = arith.constant 0 : i32
    %dma_wait3A_299 = tpu.memref_slice %arg4[%add3A_243, %dma_wait3A_298] : memref<2048x64xf32, #tpu.memory_space<hbm>> -> memref<256x64xf32, #tpu.memory_space<hbm>>
    tpu.wait_dma2 semaphore(%arg13 : memref<!tpu.dma_semaphore, #tpu.memory_space<semaphore_mem>>) src(%dma_wait3A_299 : memref<256x64xf32, #tpu.memory_space<hbm>>) dst(%arg10 : memref<256x64xf32, #tpu.memory_space<vmem>>)
    %dma_wait3A_300 = arith.constant 0 : i32
    %dma_wait3A_301 = tpu.memref_slice %arg5[%mul3A_170, %dma_wait3A_300] : memref<40960x64xf32, #tpu.memory_space<hbm>> -> memref<256x64xf32, #tpu.memory_space<hbm>>
    %dma_wait3A_302 = arith.constant 0 : i32
    %dma_wait3A_303 = tpu.memref_slice %arg5[%mul3A_170, %dma_wait3A_302] : memref<40960x64xf32, #tpu.memory_space<hbm>> -> memref<256x64xf32, #tpu.memory_space<hbm>>
    tpu.wait_dma2 semaphore(%arg16 : memref<!tpu.dma_semaphore, #tpu.memory_space<semaphore_mem>>) src(%arg9 : memref<256x64xf32, #tpu.memory_space<vmem>>) dst(%dma_wait3A_303 : memref<256x64xf32, #tpu.memory_space<hbm>>)
    %mul3A_304 = arith.constant 5 : i32
    %mul3A_305 = arith.muli %add3A, %mul3A_304 : i32
    %add3A_306 = arith.constant 3 : i32
    %add3A_307 = arith.addi %mul3A_305, %add3A_306 : i32
    %mul3A_308 = arith.constant 256 : i32
    %mul3A_309 = arith.muli %add3A_307, %mul3A_308 : i32
    %jit3A_310 = arith.constant 20480 : i32
    %div3A_311 = arith.divsi %mul3A_309, %jit3A_310 : i32
    %sign3A_312 = arith.constant 0 : i32
    %sign3A_313 = arith.cmpi sgt, %mul3A_309, %sign3A_312 : i32
    %sign3A_314 = arith.extui %sign3A_313 : i1 to i32
    %sign3A_315 = arith.constant 0 : i32
    %sign3A_316 = arith.cmpi slt, %mul3A_309, %sign3A_315 : i32
    %sign3A_317 = arith.extui %sign3A_316 : i1 to i32
    %sign3A_318 = arith.subi %sign3A_314, %sign3A_317 : i32
    %sign3A_319 = arith.constant 0 : i32
    %sign3A_320 = arith.cmpi sgt, %jit3A_310, %sign3A_319 : i32
    %sign3A_321 = arith.extui %sign3A_320 : i1 to i32
    %sign3A_322 = arith.constant 0 : i32
    %sign3A_323 = arith.cmpi slt, %jit3A_310, %sign3A_322 : i32
    %sign3A_324 = arith.extui %sign3A_323 : i1 to i32
    %sign3A_325 = arith.subi %sign3A_321, %sign3A_324 : i32
    %ne3A_326 = arith.cmpi ne, %sign3A_318, %sign3A_325 : i32
    %rem3A_327 = arith.remsi %mul3A_309, %jit3A_310 : i32
    %ne3A_328 = arith.constant 0 : i32
    %ne3A_329 = arith.cmpi ne, %rem3A_327, %ne3A_328 : i32
    %and3A_330 = arith.andi %ne3A_326, %ne3A_329 : i1
    %sub3A_331 = arith.constant 1 : i32
    %sub3A_332 = arith.subi %div3A_311, %sub3A_331 : i32
    %select_n3A_333 = arith.select %and3A_330, %sub3A_332, %div3A_311 : i32
    %mul3A_334 = arith.constant 1024 : i32
    %mul3A_335 = arith.muli %select_n3A_333, %mul3A_334 : i32
    %jit3A_336 = arith.constant 1024 : i32
    %eq3A_337 = arith.constant 0 : i32
    %eq3A_338 = arith.cmpi eq, %jit3A_336, %eq3A_337 : i32
    %jit3A_339 = arith.constant 1 : i32
    %select_n3A_340 = arith.select %eq3A_338, %jit3A_339, %jit3A_336 : i32
    %rem3A_341 = arith.remsi %mul3A_309, %select_n3A_340 : i32
    %ne3A_342 = arith.constant 0 : i32
    %ne3A_343 = arith.cmpi ne, %rem3A_341, %ne3A_342 : i32
    %lt3A_344 = arith.constant 0 : i32
    %lt3A_345 = arith.cmpi slt, %rem3A_341, %lt3A_344 : i32
    %lt3A_346 = arith.constant 0 : i32
    %lt3A_347 = arith.cmpi slt, %select_n3A_340, %lt3A_346 : i32
    %ne3A_348 = arith.xori %lt3A_345, %lt3A_347 : i1
    %and3A_349 = arith.andi %ne3A_348, %ne3A_343 : i1
    %add3A_350 = arith.addi %rem3A_341, %select_n3A_340 : i32
    %select_n3A_351 = arith.select %and3A_349, %add3A_350, %rem3A_341 : i32
    %add3A_352 = arith.addi %mul3A_335, %select_n3A_351 : i32
    %dma_start3A_353 = arith.constant 0 : i32
    %dma_start3A_354 = arith.constant 0 : i32
    %dma_start3A_355 = tpu.memref_slice %arg9[%dma_start3A_353, %dma_start3A_354] : memref<256x64xf32, #tpu.memory_space<vmem>> -> memref<128x64xf32, #tpu.memory_space<vmem>>
    %dma_start3A_356 = arith.constant 768 : i32
    %dma_start3A_357 = tpu.memref_slice %arg7[%dma_start3A_356] : memref<1280xi32, #tpu.memory_space<vmem>> -> memref<128xi32, #tpu.memory_space<vmem>>
    %dma_start3A_358 = arith.constant 0 : i32
    %dma_start3A_359 = arith.constant 0 : i32
    %dma_start3A_360 = tpu.memref_slice %arg3[%dma_start3A_358, %dma_start3A_359] : memref<2048x64xf32, #tpu.memory_space<hbm>> -> memref<2048x64xf32, #tpu.memory_space<hbm>>
    tpu.enqueue_indirect_dma source(%dma_start3A_360 : memref<2048x64xf32, #tpu.memory_space<hbm>>) target(%dma_start3A_355 : memref<128x64xf32, #tpu.memory_space<vmem>>) offsets(%dma_start3A_357 : memref<128xi32, #tpu.memory_space<vmem>>) semaphore(%arg14 : memref<!tpu.dma_semaphore, #tpu.memory_space<semaphore_mem>>)
    %dma_start3A_361 = arith.constant 128 : i32
    %dma_start3A_362 = arith.constant 0 : i32
    %dma_start3A_363 = tpu.memref_slice %arg9[%dma_start3A_361, %dma_start3A_362] : memref<256x64xf32, #tpu.memory_space<vmem>> -> memref<128x64xf32, #tpu.memory_space<vmem>>
    %dma_start3A_364 = arith.constant 896 : i32
    %dma_start3A_365 = tpu.memref_slice %arg7[%dma_start3A_364] : memref<1280xi32, #tpu.memory_space<vmem>> -> memref<128xi32, #tpu.memory_space<vmem>>
    %dma_start3A_366 = arith.constant 0 : i32
    %dma_start3A_367 = arith.constant 0 : i32
    %dma_start3A_368 = tpu.memref_slice %arg3[%dma_start3A_366, %dma_start3A_367] : memref<2048x64xf32, #tpu.memory_space<hbm>> -> memref<2048x64xf32, #tpu.memory_space<hbm>>
    tpu.enqueue_indirect_dma source(%dma_start3A_368 : memref<2048x64xf32, #tpu.memory_space<hbm>>) target(%dma_start3A_363 : memref<128x64xf32, #tpu.memory_space<vmem>>) offsets(%dma_start3A_365 : memref<128xi32, #tpu.memory_space<vmem>>) semaphore(%arg14 : memref<!tpu.dma_semaphore, #tpu.memory_space<semaphore_mem>>)
    %dma_start3A_369 = arith.constant 0 : i32
    %dma_start3A_370 = tpu.memref_slice %arg4[%add3A_352, %dma_start3A_369] : memref<2048x64xf32, #tpu.memory_space<hbm>> -> memref<256x64xf32, #tpu.memory_space<hbm>>
    %dma_start3A_371 = arith.constant 0 : i32
    %dma_start3A_372 = tpu.memref_slice %arg4[%add3A_352, %dma_start3A_371] : memref<2048x64xf32, #tpu.memory_space<hbm>> -> memref<256x64xf32, #tpu.memory_space<hbm>>
    tpu.enqueue_dma source(%dma_start3A_372 : memref<256x64xf32, #tpu.memory_space<hbm>>) target(%arg11 : memref<256x64xf32, #tpu.memory_space<vmem>>) target_semaphore(%arg14 : memref<!tpu.dma_semaphore, #tpu.memory_space<semaphore_mem>>)
    %scan3A_373 = arith.constant 0 : i32
    %scan3A_374 = arith.constant 256 : i32
    %scan3A_375 = arith.addi %scan3A_373, %scan3A_374 : i32
    %scan3A_376 = arith.constant 1 : i32
    %scan3A_377:8 = scf.for %scan3A_583 = %scan3A_373 to %scan3A_375 step %scan3A_376 iter_args(%scan3A_584 = %scan3A_268#0, %scan3A_585 = %scan3A_268#1, %scan3A_586 = %scan3A_268#2, %scan3A_587 = %scan3A_268#3, %scan3A_588 = %scan3A_268#4, %scan3A_589 = %scan3A_268#5, %scan3A_590 = %scan3A_268#6, %scan3A_591 = %scan3A_268#7) -> (vector<16xf32>, vector<16xf32>, vector<16xf32>, vector<16xf32>, vector<16xf32>, vector<16xf32>, vector<16xf32>, vector<16xf32>)  : i32 {
      %get3A = arith.index_cast %scan3A_583 : i32 to index
      %get3A_592 = arith.constant 0 : index
      %get3A_593 = tpu.vector_load %arg8[%get3A, %get3A_592] {strides = array<i32>} : memref<256x64xf32, #tpu.memory_space<vmem>>, vector<1x16xf32>,
      %get3A_594 = vector.shape_cast %get3A_593 : vector<1x16xf32> to vector<16xf32>
      %get3A_595 = arith.index_cast %scan3A_583 : i32 to index
      %get3A_596 = arith.constant 0 : index
      %get3A_597 = tpu.vector_load %arg10[%get3A_595, %get3A_596] {strides = array<i32>} : memref<256x64xf32, #tpu.memory_space<vmem>>, vector<1x16xf32>,
      %get3A_598 = vector.shape_cast %get3A_597 : vector<1x16xf32> to vector<16xf32>
      %add3A_599 = arith.addf %get3A_594, %get3A_598 : vector<16xf32>
      %swap3A_600 = arith.index_cast %scan3A_583 : i32 to index
      %swap3A_601 = arith.constant 0 : index
      %swap3A_602 = tpu.vector_load %arg8[%swap3A_600, %swap3A_601] {strides = array<i32>} : memref<256x64xf32, #tpu.memory_space<vmem>>, vector<1x16xf32>,
      %swap3A_603 = vector.shape_cast %swap3A_602 : vector<1x16xf32> to vector<16xf32>
      %swap3A_604 = vector.shape_cast %add3A_599 : vector<16xf32> to vector<1x16xf32>
      tpu.vector_store %arg8[%swap3A_600, %swap3A_601], %swap3A_604 {strides = array<i32>} : memref<256x64xf32, #tpu.memory_space<vmem>>, vector<1x16xf32>,
      %add3A_605 = arith.addf %scan3A_584, %add3A_599 : vector<16xf32>
      %mul3A_606 = arith.mulf %add3A_599, %add3A_599 : vector<16xf32>
      %add3A_607 = arith.addf %scan3A_588, %mul3A_606 : vector<16xf32>
      %get3A_608 = arith.index_cast %scan3A_583 : i32 to index
      %get3A_609 = arith.constant 16 : index
      %get3A_610 = tpu.vector_load %arg8[%get3A_608, %get3A_609] {strides = array<i32>} : memref<256x64xf32, #tpu.memory_space<vmem>>, vector<1x16xf32>,
      %get3A_611 = vector.shape_cast %get3A_610 : vector<1x16xf32> to vector<16xf32>
      %get3A_612 = arith.index_cast %scan3A_583 : i32 to index
      %get3A_613 = arith.constant 16 : index
      %get3A_614 = tpu.vector_load %arg10[%get3A_612, %get3A_613] {strides = array<i32>} : memref<256x64xf32, #tpu.memory_space<vmem>>, vector<1x16xf32>,
      %get3A_615 = vector.shape_cast %get3A_614 : vector<1x16xf32> to vector<16xf32>
      %add3A_616 = arith.addf %get3A_611, %get3A_615 : vector<16xf32>
      %swap3A_617 = arith.index_cast %scan3A_583 : i32 to index
      %swap3A_618 = arith.constant 16 : index
      %swap3A_619 = tpu.vector_load %arg8[%swap3A_617, %swap3A_618] {strides = array<i32>} : memref<256x64xf32, #tpu.memory_space<vmem>>, vector<1x16xf32>,
      %swap3A_620 = vector.shape_cast %swap3A_619 : vector<1x16xf32> to vector<16xf32>
      %swap3A_621 = vector.shape_cast %add3A_616 : vector<16xf32> to vector<1x16xf32>
      tpu.vector_store %arg8[%swap3A_617, %swap3A_618], %swap3A_621 {strides = array<i32>} : memref<256x64xf32, #tpu.memory_space<vmem>>, vector<1x16xf32>,
      %add3A_622 = arith.addf %scan3A_585, %add3A_616 : vector<16xf32>
      %mul3A_623 = arith.mulf %add3A_616, %add3A_616 : vector<16xf32>
      %add3A_624 = arith.addf %scan3A_589, %mul3A_623 : vector<16xf32>
      %get3A_625 = arith.index_cast %scan3A_583 : i32 to index
      %get3A_626 = arith.constant 32 : index
      %get3A_627 = tpu.vector_load %arg8[%get3A_625, %get3A_626] {strides = array<i32>} : memref<256x64xf32, #tpu.memory_space<vmem>>, vector<1x16xf32>,
      %get3A_628 = vector.shape_cast %get3A_627 : vector<1x16xf32> to vector<16xf32>
      %get3A_629 = arith.index_cast %scan3A_583 : i32 to index
      %get3A_630 = arith.constant 32 : index
      %get3A_631 = tpu.vector_load %arg10[%get3A_629, %get3A_630] {strides = array<i32>} : memref<256x64xf32, #tpu.memory_space<vmem>>, vector<1x16xf32>,
      %get3A_632 = vector.shape_cast %get3A_631 : vector<1x16xf32> to vector<16xf32>
      %add3A_633 = arith.addf %get3A_628, %get3A_632 : vector<16xf32>
      %swap3A_634 = arith.index_cast %scan3A_583 : i32 to index
      %swap3A_635 = arith.constant 32 : index
      %swap3A_636 = tpu.vector_load %arg8[%swap3A_634, %swap3A_635] {strides = array<i32>} : memref<256x64xf32, #tpu.memory_space<vmem>>, vector<1x16xf32>,
      %swap3A_637 = vector.shape_cast %swap3A_636 : vector<1x16xf32> to vector<16xf32>
      %swap3A_638 = vector.shape_cast %add3A_633 : vector<16xf32> to vector<1x16xf32>
      tpu.vector_store %arg8[%swap3A_634, %swap3A_635], %swap3A_638 {strides = array<i32>} : memref<256x64xf32, #tpu.memory_space<vmem>>, vector<1x16xf32>,
      %add3A_639 = arith.addf %scan3A_586, %add3A_633 : vector<16xf32>
      %mul3A_640 = arith.mulf %add3A_633, %add3A_633 : vector<16xf32>
      %add3A_641 = arith.addf %scan3A_590, %mul3A_640 : vector<16xf32>
      %get3A_642 = arith.index_cast %scan3A_583 : i32 to index
      %get3A_643 = arith.constant 48 : index
      %get3A_644 = tpu.vector_load %arg8[%get3A_642, %get3A_643] {strides = array<i32>} : memref<256x64xf32, #tpu.memory_space<vmem>>, vector<1x16xf32>,
      %get3A_645 = vector.shape_cast %get3A_644 : vector<1x16xf32> to vector<16xf32>
      %get3A_646 = arith.index_cast %scan3A_583 : i32 to index
      %get3A_647 = arith.constant 48 : index
      %get3A_648 = tpu.vector_load %arg10[%get3A_646, %get3A_647] {strides = array<i32>} : memref<256x64xf32, #tpu.memory_space<vmem>>, vector<1x16xf32>,
      %get3A_649 = vector.shape_cast %get3A_648 : vector<1x16xf32> to vector<16xf32>
      %add3A_650 = arith.addf %get3A_645, %get3A_649 : vector<16xf32>
      %swap3A_651 = arith.index_cast %scan3A_583 : i32 to index
      %swap3A_652 = arith.constant 48 : index
      %swap3A_653 = tpu.vector_load %arg8[%swap3A_651, %swap3A_652] {strides = array<i32>} : memref<256x64xf32, #tpu.memory_space<vmem>>, vector<1x16xf32>,
      %swap3A_654 = vector.shape_cast %swap3A_653 : vector<1x16xf32> to vector<16xf32>
      %swap3A_655 = vector.shape_cast %add3A_650 : vector<16xf32> to vector<1x16xf32>
      tpu.vector_store %arg8[%swap3A_651, %swap3A_652], %swap3A_655 {strides = array<i32>} : memref<256x64xf32, #tpu.memory_space<vmem>>, vector<1x16xf32>,
      %add3A_656 = arith.addf %scan3A_587, %add3A_650 : vector<16xf32>
      %mul3A_657 = arith.mulf %add3A_650, %add3A_650 : vector<16xf32>
      %add3A_658 = arith.addf %scan3A_591, %mul3A_657 : vector<16xf32>
      scf.yield %add3A_605, %add3A_622, %add3A_639, %add3A_656, %add3A_607, %add3A_624, %add3A_641, %add3A_658 : vector<16xf32>, vector<16xf32>, vector<16xf32>, vector<16xf32>, vector<16xf32>, vector<16xf32>, vector<16xf32>, vector<16xf32>
    }
    %scan3A_378 = arith.constant 256 : i32
    %dma_start3A_379 = arith.constant 0 : i32
    %dma_start3A_380 = tpu.memref_slice %arg5[%mul3A_279, %dma_start3A_379] : memref<40960x64xf32, #tpu.memory_space<hbm>> -> memref<256x64xf32, #tpu.memory_space<hbm>>
    %dma_start3A_381 = arith.constant 0 : i32
    %dma_start3A_382 = tpu.memref_slice %arg5[%mul3A_279, %dma_start3A_381] : memref<40960x64xf32, #tpu.memory_space<hbm>> -> memref<256x64xf32, #tpu.memory_space<hbm>>
    tpu.enqueue_dma source(%arg8 : memref<256x64xf32, #tpu.memory_space<vmem>>) target(%dma_start3A_382 : memref<256x64xf32, #tpu.memory_space<hbm>>) target_semaphore(%arg15 : memref<!tpu.dma_semaphore, #tpu.memory_space<semaphore_mem>>)
    %mul3A_383 = arith.constant 5 : i32
    %mul3A_384 = arith.muli %add3A, %mul3A_383 : i32
    %add3A_385 = arith.constant 3 : i32
    %add3A_386 = arith.addi %mul3A_384, %add3A_385 : i32
    %mul3A_387 = arith.constant 256 : i32
    %mul3A_388 = arith.muli %add3A_386, %mul3A_387 : i32
    %dma_wait3A_389 = arith.constant 0 : i32
    %dma_wait3A_390 = arith.constant 0 : i32
    %dma_wait3A_391 = tpu.memref_slice %arg9[%dma_wait3A_389, %dma_wait3A_390] : memref<256x64xf32, #tpu.memory_space<vmem>> -> memref<128x64xf32, #tpu.memory_space<vmem>>
    %dma_wait3A_392 = arith.constant 768 : i32
    %dma_wait3A_393 = tpu.memref_slice %arg7[%dma_wait3A_392] : memref<1280xi32, #tpu.memory_space<vmem>> -> memref<128xi32, #tpu.memory_space<vmem>>
    %dma_wait3A_394 = arith.constant 0 : i32
    %dma_wait3A_395 = arith.constant 0 : i32
    %dma_wait3A_396 = tpu.memref_slice %arg3[%dma_wait3A_394, %dma_wait3A_395] : memref<2048x64xf32, #tpu.memory_space<hbm>> -> memref<2048x64xf32, #tpu.memory_space<hbm>>
    tpu.wait_indirect_dma semaphore(%arg14 : memref<!tpu.dma_semaphore, #tpu.memory_space<semaphore_mem>>) src(%dma_wait3A_396 : memref<2048x64xf32, #tpu.memory_space<hbm>>) dst(%dma_wait3A_391 : memref<128x64xf32, #tpu.memory_space<vmem>>)
    %dma_wait3A_397 = arith.constant 128 : i32
    %dma_wait3A_398 = arith.constant 0 : i32
    %dma_wait3A_399 = tpu.memref_slice %arg9[%dma_wait3A_397, %dma_wait3A_398] : memref<256x64xf32, #tpu.memory_space<vmem>> -> memref<128x64xf32, #tpu.memory_space<vmem>>
    %dma_wait3A_400 = arith.constant 896 : i32
    %dma_wait3A_401 = tpu.memref_slice %arg7[%dma_wait3A_400] : memref<1280xi32, #tpu.memory_space<vmem>> -> memref<128xi32, #tpu.memory_space<vmem>>
    %dma_wait3A_402 = arith.constant 0 : i32
    %dma_wait3A_403 = arith.constant 0 : i32
    %dma_wait3A_404 = tpu.memref_slice %arg3[%dma_wait3A_402, %dma_wait3A_403] : memref<2048x64xf32, #tpu.memory_space<hbm>> -> memref<2048x64xf32, #tpu.memory_space<hbm>>
    tpu.wait_indirect_dma semaphore(%arg14 : memref<!tpu.dma_semaphore, #tpu.memory_space<semaphore_mem>>) src(%dma_wait3A_404 : memref<2048x64xf32, #tpu.memory_space<hbm>>) dst(%dma_wait3A_399 : memref<128x64xf32, #tpu.memory_space<vmem>>)
    %dma_wait3A_405 = arith.constant 0 : i32
    %dma_wait3A_406 = tpu.memref_slice %arg4[%add3A_352, %dma_wait3A_405] : memref<2048x64xf32, #tpu.memory_space<hbm>> -> memref<256x64xf32, #tpu.memory_space<hbm>>
    %dma_wait3A_407 = arith.constant 0 : i32
    %dma_wait3A_408 = tpu.memref_slice %arg4[%add3A_352, %dma_wait3A_407] : memref<2048x64xf32, #tpu.memory_space<hbm>> -> memref<256x64xf32, #tpu.memory_space<hbm>>
    tpu.wait_dma2 semaphore(%arg14 : memref<!tpu.dma_semaphore, #tpu.memory_space<semaphore_mem>>) src(%dma_wait3A_408 : memref<256x64xf32, #tpu.memory_space<hbm>>) dst(%arg11 : memref<256x64xf32, #tpu.memory_space<vmem>>)
    %dma_wait3A_409 = arith.constant 0 : i32
    %dma_wait3A_410 = tpu.memref_slice %arg5[%mul3A_279, %dma_wait3A_409] : memref<40960x64xf32, #tpu.memory_space<hbm>> -> memref<256x64xf32, #tpu.memory_space<hbm>>
    %dma_wait3A_411 = arith.constant 0 : i32
    %dma_wait3A_412 = tpu.memref_slice %arg5[%mul3A_279, %dma_wait3A_411] : memref<40960x64xf32, #tpu.memory_space<hbm>> -> memref<256x64xf32, #tpu.memory_space<hbm>>
    tpu.wait_dma2 semaphore(%arg15 : memref<!tpu.dma_semaphore, #tpu.memory_space<semaphore_mem>>) src(%arg8 : memref<256x64xf32, #tpu.memory_space<vmem>>) dst(%dma_wait3A_412 : memref<256x64xf32, #tpu.memory_space<hbm>>)
    %mul3A_413 = arith.constant 5 : i32
    %mul3A_414 = arith.muli %add3A, %mul3A_413 : i32
    %add3A_415 = arith.constant 4 : i32
    %add3A_416 = arith.addi %mul3A_414, %add3A_415 : i32
    %mul3A_417 = arith.constant 256 : i32
    %mul3A_418 = arith.muli %add3A_416, %mul3A_417 : i32
    %jit3A_419 = arith.constant 20480 : i32
    %div3A_420 = arith.divsi %mul3A_418, %jit3A_419 : i32
    %sign3A_421 = arith.constant 0 : i32
    %sign3A_422 = arith.cmpi sgt, %mul3A_418, %sign3A_421 : i32
    %sign3A_423 = arith.extui %sign3A_422 : i1 to i32
    %sign3A_424 = arith.constant 0 : i32
    %sign3A_425 = arith.cmpi slt, %mul3A_418, %sign3A_424 : i32
    %sign3A_426 = arith.extui %sign3A_425 : i1 to i32
    %sign3A_427 = arith.subi %sign3A_423, %sign3A_426 : i32
    %sign3A_428 = arith.constant 0 : i32
    %sign3A_429 = arith.cmpi sgt, %jit3A_419, %sign3A_428 : i32
    %sign3A_430 = arith.extui %sign3A_429 : i1 to i32
    %sign3A_431 = arith.constant 0 : i32
    %sign3A_432 = arith.cmpi slt, %jit3A_419, %sign3A_431 : i32
    %sign3A_433 = arith.extui %sign3A_432 : i1 to i32
    %sign3A_434 = arith.subi %sign3A_430, %sign3A_433 : i32
    %ne3A_435 = arith.cmpi ne, %sign3A_427, %sign3A_434 : i32
    %rem3A_436 = arith.remsi %mul3A_418, %jit3A_419 : i32
    %ne3A_437 = arith.constant 0 : i32
    %ne3A_438 = arith.cmpi ne, %rem3A_436, %ne3A_437 : i32
    %and3A_439 = arith.andi %ne3A_435, %ne3A_438 : i1
    %sub3A_440 = arith.constant 1 : i32
    %sub3A_441 = arith.subi %div3A_420, %sub3A_440 : i32
    %select_n3A_442 = arith.select %and3A_439, %sub3A_441, %div3A_420 : i32
    %mul3A_443 = arith.constant 1024 : i32
    %mul3A_444 = arith.muli %select_n3A_442, %mul3A_443 : i32
    %jit3A_445 = arith.constant 1024 : i32
    %eq3A_446 = arith.constant 0 : i32
    %eq3A_447 = arith.cmpi eq, %jit3A_445, %eq3A_446 : i32
    %jit3A_448 = arith.constant 1 : i32
    %select_n3A_449 = arith.select %eq3A_447, %jit3A_448, %jit3A_445 : i32
    %rem3A_450 = arith.remsi %mul3A_418, %select_n3A_449 : i32
    %ne3A_451 = arith.constant 0 : i32
    %ne3A_452 = arith.cmpi ne, %rem3A_450, %ne3A_451 : i32
    %lt3A_453 = arith.constant 0 : i32
    %lt3A_454 = arith.cmpi slt, %rem3A_450, %lt3A_453 : i32
    %lt3A_455 = arith.constant 0 : i32
    %lt3A_456 = arith.cmpi slt, %select_n3A_449, %lt3A_455 : i32
    %ne3A_457 = arith.xori %lt3A_454, %lt3A_456 : i1
    %and3A_458 = arith.andi %ne3A_457, %ne3A_452 : i1
    %add3A_459 = arith.addi %rem3A_450, %select_n3A_449 : i32
    %select_n3A_460 = arith.select %and3A_458, %add3A_459, %rem3A_450 : i32
    %add3A_461 = arith.addi %mul3A_444, %select_n3A_460 : i32
    %dma_start3A_462 = arith.constant 0 : i32
    %dma_start3A_463 = arith.constant 0 : i32
    %dma_start3A_464 = tpu.memref_slice %arg8[%dma_start3A_462, %dma_start3A_463] : memref<256x64xf32, #tpu.memory_space<vmem>> -> memref<128x64xf32, #tpu.memory_space<vmem>>
    %dma_start3A_465 = arith.constant 1024 : i32
    %dma_start3A_466 = tpu.memref_slice %arg7[%dma_start3A_465] : memref<1280xi32, #tpu.memory_space<vmem>> -> memref<128xi32, #tpu.memory_space<vmem>>
    %dma_start3A_467 = arith.constant 0 : i32
    %dma_start3A_468 = arith.constant 0 : i32
    %dma_start3A_469 = tpu.memref_slice %arg3[%dma_start3A_467, %dma_start3A_468] : memref<2048x64xf32, #tpu.memory_space<hbm>> -> memref<2048x64xf32, #tpu.memory_space<hbm>>
    tpu.enqueue_indirect_dma source(%dma_start3A_469 : memref<2048x64xf32, #tpu.memory_space<hbm>>) target(%dma_start3A_464 : memref<128x64xf32, #tpu.memory_space<vmem>>) offsets(%dma_start3A_466 : memref<128xi32, #tpu.memory_space<vmem>>) semaphore(%arg13 : memref<!tpu.dma_semaphore, #tpu.memory_space<semaphore_mem>>)
    %dma_start3A_470 = arith.constant 128 : i32
    %dma_start3A_471 = arith.constant 0 : i32
    %dma_start3A_472 = tpu.memref_slice %arg8[%dma_start3A_470, %dma_start3A_471] : memref<256x64xf32, #tpu.memory_space<vmem>> -> memref<128x64xf32, #tpu.memory_space<vmem>>
    %dma_start3A_473 = arith.constant 1152 : i32
    %dma_start3A_474 = tpu.memref_slice %arg7[%dma_start3A_473] : memref<1280xi32, #tpu.memory_space<vmem>> -> memref<128xi32, #tpu.memory_space<vmem>>
    %dma_start3A_475 = arith.constant 0 : i32
    %dma_start3A_476 = arith.constant 0 : i32
    %dma_start3A_477 = tpu.memref_slice %arg3[%dma_start3A_475, %dma_start3A_476] : memref<2048x64xf32, #tpu.memory_space<hbm>> -> memref<2048x64xf32, #tpu.memory_space<hbm>>
    tpu.enqueue_indirect_dma source(%dma_start3A_477 : memref<2048x64xf32, #tpu.memory_space<hbm>>) target(%dma_start3A_472 : memref<128x64xf32, #tpu.memory_space<vmem>>) offsets(%dma_start3A_474 : memref<128xi32, #tpu.memory_space<vmem>>) semaphore(%arg13 : memref<!tpu.dma_semaphore, #tpu.memory_space<semaphore_mem>>)
    %dma_start3A_478 = arith.constant 0 : i32
    %dma_start3A_479 = tpu.memref_slice %arg4[%add3A_461, %dma_start3A_478] : memref<2048x64xf32, #tpu.memory_space<hbm>> -> memref<256x64xf32, #tpu.memory_space<hbm>>
    %dma_start3A_480 = arith.constant 0 : i32
    %dma_start3A_481 = tpu.memref_slice %arg4[%add3A_461, %dma_start3A_480] : memref<2048x64xf32, #tpu.memory_space<hbm>> -> memref<256x64xf32, #tpu.memory_space<hbm>>
    tpu.enqueue_dma source(%dma_start3A_481 : memref<256x64xf32, #tpu.memory_space<hbm>>) target(%arg10 : memref<256x64xf32, #tpu.memory_space<vmem>>) target_semaphore(%arg13 : memref<!tpu.dma_semaphore, #tpu.memory_space<semaphore_mem>>)
    %scan3A_482 = arith.constant 0 : i32
    %scan3A_483 = arith.constant 256 : i32
    %scan3A_484 = arith.addi %scan3A_482, %scan3A_483 : i32
    %scan3A_485 = arith.constant 1 : i32
    %scan3A_486:8 = scf.for %scan3A_583 = %scan3A_482 to %scan3A_484 step %scan3A_485 iter_args(%scan3A_584 = %scan3A_377#0, %scan3A_585 = %scan3A_377#1, %scan3A_586 = %scan3A_377#2, %scan3A_587 = %scan3A_377#3, %scan3A_588 = %scan3A_377#4, %scan3A_589 = %scan3A_377#5, %scan3A_590 = %scan3A_377#6, %scan3A_591 = %scan3A_377#7) -> (vector<16xf32>, vector<16xf32>, vector<16xf32>, vector<16xf32>, vector<16xf32>, vector<16xf32>, vector<16xf32>, vector<16xf32>)  : i32 {
      %get3A = arith.index_cast %scan3A_583 : i32 to index
      %get3A_592 = arith.constant 0 : index
      %get3A_593 = tpu.vector_load %arg9[%get3A, %get3A_592] {strides = array<i32>} : memref<256x64xf32, #tpu.memory_space<vmem>>, vector<1x16xf32>,
      %get3A_594 = vector.shape_cast %get3A_593 : vector<1x16xf32> to vector<16xf32>
      %get3A_595 = arith.index_cast %scan3A_583 : i32 to index
      %get3A_596 = arith.constant 0 : index
      %get3A_597 = tpu.vector_load %arg11[%get3A_595, %get3A_596] {strides = array<i32>} : memref<256x64xf32, #tpu.memory_space<vmem>>, vector<1x16xf32>,
      %get3A_598 = vector.shape_cast %get3A_597 : vector<1x16xf32> to vector<16xf32>
      %add3A_599 = arith.addf %get3A_594, %get3A_598 : vector<16xf32>
      %swap3A_600 = arith.index_cast %scan3A_583 : i32 to index
      %swap3A_601 = arith.constant 0 : index
      %swap3A_602 = tpu.vector_load %arg9[%swap3A_600, %swap3A_601] {strides = array<i32>} : memref<256x64xf32, #tpu.memory_space<vmem>>, vector<1x16xf32>,
      %swap3A_603 = vector.shape_cast %swap3A_602 : vector<1x16xf32> to vector<16xf32>
      %swap3A_604 = vector.shape_cast %add3A_599 : vector<16xf32> to vector<1x16xf32>
      tpu.vector_store %arg9[%swap3A_600, %swap3A_601], %swap3A_604 {strides = array<i32>} : memref<256x64xf32, #tpu.memory_space<vmem>>, vector<1x16xf32>,
      %add3A_605 = arith.addf %scan3A_584, %add3A_599 : vector<16xf32>
      %mul3A_606 = arith.mulf %add3A_599, %add3A_599 : vector<16xf32>
      %add3A_607 = arith.addf %scan3A_588, %mul3A_606 : vector<16xf32>
      %get3A_608 = arith.index_cast %scan3A_583 : i32 to index
      %get3A_609 = arith.constant 16 : index
      %get3A_610 = tpu.vector_load %arg9[%get3A_608, %get3A_609] {strides = array<i32>} : memref<256x64xf32, #tpu.memory_space<vmem>>, vector<1x16xf32>,
      %get3A_611 = vector.shape_cast %get3A_610 : vector<1x16xf32> to vector<16xf32>
      %get3A_612 = arith.index_cast %scan3A_583 : i32 to index
      %get3A_613 = arith.constant 16 : index
      %get3A_614 = tpu.vector_load %arg11[%get3A_612, %get3A_613] {strides = array<i32>} : memref<256x64xf32, #tpu.memory_space<vmem>>, vector<1x16xf32>,
      %get3A_615 = vector.shape_cast %get3A_614 : vector<1x16xf32> to vector<16xf32>
      %add3A_616 = arith.addf %get3A_611, %get3A_615 : vector<16xf32>
      %swap3A_617 = arith.index_cast %scan3A_583 : i32 to index
      %swap3A_618 = arith.constant 16 : index
      %swap3A_619 = tpu.vector_load %arg9[%swap3A_617, %swap3A_618] {strides = array<i32>} : memref<256x64xf32, #tpu.memory_space<vmem>>, vector<1x16xf32>,
      %swap3A_620 = vector.shape_cast %swap3A_619 : vector<1x16xf32> to vector<16xf32>
      %swap3A_621 = vector.shape_cast %add3A_616 : vector<16xf32> to vector<1x16xf32>
      tpu.vector_store %arg9[%swap3A_617, %swap3A_618], %swap3A_621 {strides = array<i32>} : memref<256x64xf32, #tpu.memory_space<vmem>>, vector<1x16xf32>,
      %add3A_622 = arith.addf %scan3A_585, %add3A_616 : vector<16xf32>
      %mul3A_623 = arith.mulf %add3A_616, %add3A_616 : vector<16xf32>
      %add3A_624 = arith.addf %scan3A_589, %mul3A_623 : vector<16xf32>
      %get3A_625 = arith.index_cast %scan3A_583 : i32 to index
      %get3A_626 = arith.constant 32 : index
      %get3A_627 = tpu.vector_load %arg9[%get3A_625, %get3A_626] {strides = array<i32>} : memref<256x64xf32, #tpu.memory_space<vmem>>, vector<1x16xf32>,
      %get3A_628 = vector.shape_cast %get3A_627 : vector<1x16xf32> to vector<16xf32>
      %get3A_629 = arith.index_cast %scan3A_583 : i32 to index
      %get3A_630 = arith.constant 32 : index
      %get3A_631 = tpu.vector_load %arg11[%get3A_629, %get3A_630] {strides = array<i32>} : memref<256x64xf32, #tpu.memory_space<vmem>>, vector<1x16xf32>,
      %get3A_632 = vector.shape_cast %get3A_631 : vector<1x16xf32> to vector<16xf32>
      %add3A_633 = arith.addf %get3A_628, %get3A_632 : vector<16xf32>
      %swap3A_634 = arith.index_cast %scan3A_583 : i32 to index
      %swap3A_635 = arith.constant 32 : index
      %swap3A_636 = tpu.vector_load %arg9[%swap3A_634, %swap3A_635] {strides = array<i32>} : memref<256x64xf32, #tpu.memory_space<vmem>>, vector<1x16xf32>,
      %swap3A_637 = vector.shape_cast %swap3A_636 : vector<1x16xf32> to vector<16xf32>
      %swap3A_638 = vector.shape_cast %add3A_633 : vector<16xf32> to vector<1x16xf32>
      tpu.vector_store %arg9[%swap3A_634, %swap3A_635], %swap3A_638 {strides = array<i32>} : memref<256x64xf32, #tpu.memory_space<vmem>>, vector<1x16xf32>,
      %add3A_639 = arith.addf %scan3A_586, %add3A_633 : vector<16xf32>
      %mul3A_640 = arith.mulf %add3A_633, %add3A_633 : vector<16xf32>
      %add3A_641 = arith.addf %scan3A_590, %mul3A_640 : vector<16xf32>
      %get3A_642 = arith.index_cast %scan3A_583 : i32 to index
      %get3A_643 = arith.constant 48 : index
      %get3A_644 = tpu.vector_load %arg9[%get3A_642, %get3A_643] {strides = array<i32>} : memref<256x64xf32, #tpu.memory_space<vmem>>, vector<1x16xf32>,
      %get3A_645 = vector.shape_cast %get3A_644 : vector<1x16xf32> to vector<16xf32>
      %get3A_646 = arith.index_cast %scan3A_583 : i32 to index
      %get3A_647 = arith.constant 48 : index
      %get3A_648 = tpu.vector_load %arg11[%get3A_646, %get3A_647] {strides = array<i32>} : memref<256x64xf32, #tpu.memory_space<vmem>>, vector<1x16xf32>,
      %get3A_649 = vector.shape_cast %get3A_648 : vector<1x16xf32> to vector<16xf32>
      %add3A_650 = arith.addf %get3A_645, %get3A_649 : vector<16xf32>
      %swap3A_651 = arith.index_cast %scan3A_583 : i32 to index
      %swap3A_652 = arith.constant 48 : index
      %swap3A_653 = tpu.vector_load %arg9[%swap3A_651, %swap3A_652] {strides = array<i32>} : memref<256x64xf32, #tpu.memory_space<vmem>>, vector<1x16xf32>,
      %swap3A_654 = vector.shape_cast %swap3A_653 : vector<1x16xf32> to vector<16xf32>
      %swap3A_655 = vector.shape_cast %add3A_650 : vector<16xf32> to vector<1x16xf32>
      tpu.vector_store %arg9[%swap3A_651, %swap3A_652], %swap3A_655 {strides = array<i32>} : memref<256x64xf32, #tpu.memory_space<vmem>>, vector<1x16xf32>,
      %add3A_656 = arith.addf %scan3A_587, %add3A_650 : vector<16xf32>
      %mul3A_657 = arith.mulf %add3A_650, %add3A_650 : vector<16xf32>
      %add3A_658 = arith.addf %scan3A_591, %mul3A_657 : vector<16xf32>
      scf.yield %add3A_605, %add3A_622, %add3A_639, %add3A_656, %add3A_607, %add3A_624, %add3A_641, %add3A_658 : vector<16xf32>, vector<16xf32>, vector<16xf32>, vector<16xf32>, vector<16xf32>, vector<16xf32>, vector<16xf32>, vector<16xf32>
    }
    %scan3A_487 = arith.constant 256 : i32
    %dma_start3A_488 = arith.constant 0 : i32
    %dma_start3A_489 = tpu.memref_slice %arg5[%mul3A_388, %dma_start3A_488] : memref<40960x64xf32, #tpu.memory_space<hbm>> -> memref<256x64xf32, #tpu.memory_space<hbm>>
    %dma_start3A_490 = arith.constant 0 : i32
    %dma_start3A_491 = tpu.memref_slice %arg5[%mul3A_388, %dma_start3A_490] : memref<40960x64xf32, #tpu.memory_space<hbm>> -> memref<256x64xf32, #tpu.memory_space<hbm>>
    tpu.enqueue_dma source(%arg9 : memref<256x64xf32, #tpu.memory_space<vmem>>) target(%dma_start3A_491 : memref<256x64xf32, #tpu.memory_space<hbm>>) target_semaphore(%arg16 : memref<!tpu.dma_semaphore, #tpu.memory_space<semaphore_mem>>)
    %mul3A_492 = arith.constant 5 : i32
    %mul3A_493 = arith.muli %add3A, %mul3A_492 : i32
    %add3A_494 = arith.constant 4 : i32
    %add3A_495 = arith.addi %mul3A_493, %add3A_494 : i32
    %mul3A_496 = arith.constant 256 : i32
    %mul3A_497 = arith.muli %add3A_495, %mul3A_496 : i32
    %dma_wait3A_498 = arith.constant 0 : i32
    %dma_wait3A_499 = arith.constant 0 : i32
    %dma_wait3A_500 = tpu.memref_slice %arg8[%dma_wait3A_498, %dma_wait3A_499] : memref<256x64xf32, #tpu.memory_space<vmem>> -> memref<128x64xf32, #tpu.memory_space<vmem>>
    %dma_wait3A_501 = arith.constant 1024 : i32
    %dma_wait3A_502 = tpu.memref_slice %arg7[%dma_wait3A_501] : memref<1280xi32, #tpu.memory_space<vmem>> -> memref<128xi32, #tpu.memory_space<vmem>>
    %dma_wait3A_503 = arith.constant 0 : i32
    %dma_wait3A_504 = arith.constant 0 : i32
    %dma_wait3A_505 = tpu.memref_slice %arg3[%dma_wait3A_503, %dma_wait3A_504] : memref<2048x64xf32, #tpu.memory_space<hbm>> -> memref<2048x64xf32, #tpu.memory_space<hbm>>
    tpu.wait_indirect_dma semaphore(%arg13 : memref<!tpu.dma_semaphore, #tpu.memory_space<semaphore_mem>>) src(%dma_wait3A_505 : memref<2048x64xf32, #tpu.memory_space<hbm>>) dst(%dma_wait3A_500 : memref<128x64xf32, #tpu.memory_space<vmem>>)
    %dma_wait3A_506 = arith.constant 128 : i32
    %dma_wait3A_507 = arith.constant 0 : i32
    %dma_wait3A_508 = tpu.memref_slice %arg8[%dma_wait3A_506, %dma_wait3A_507] : memref<256x64xf32, #tpu.memory_space<vmem>> -> memref<128x64xf32, #tpu.memory_space<vmem>>
    %dma_wait3A_509 = arith.constant 1152 : i32
    %dma_wait3A_510 = tpu.memref_slice %arg7[%dma_wait3A_509] : memref<1280xi32, #tpu.memory_space<vmem>> -> memref<128xi32, #tpu.memory_space<vmem>>
    %dma_wait3A_511 = arith.constant 0 : i32
    %dma_wait3A_512 = arith.constant 0 : i32
    %dma_wait3A_513 = tpu.memref_slice %arg3[%dma_wait3A_511, %dma_wait3A_512] : memref<2048x64xf32, #tpu.memory_space<hbm>> -> memref<2048x64xf32, #tpu.memory_space<hbm>>
    tpu.wait_indirect_dma semaphore(%arg13 : memref<!tpu.dma_semaphore, #tpu.memory_space<semaphore_mem>>) src(%dma_wait3A_513 : memref<2048x64xf32, #tpu.memory_space<hbm>>) dst(%dma_wait3A_508 : memref<128x64xf32, #tpu.memory_space<vmem>>)
    %dma_wait3A_514 = arith.constant 0 : i32
    %dma_wait3A_515 = tpu.memref_slice %arg4[%add3A_461, %dma_wait3A_514] : memref<2048x64xf32, #tpu.memory_space<hbm>> -> memref<256x64xf32, #tpu.memory_space<hbm>>
    %dma_wait3A_516 = arith.constant 0 : i32
    %dma_wait3A_517 = tpu.memref_slice %arg4[%add3A_461, %dma_wait3A_516] : memref<2048x64xf32, #tpu.memory_space<hbm>> -> memref<256x64xf32, #tpu.memory_space<hbm>>
    tpu.wait_dma2 semaphore(%arg13 : memref<!tpu.dma_semaphore, #tpu.memory_space<semaphore_mem>>) src(%dma_wait3A_517 : memref<256x64xf32, #tpu.memory_space<hbm>>) dst(%arg10 : memref<256x64xf32, #tpu.memory_space<vmem>>)
    %scan3A_518 = arith.constant 0 : i32
    %scan3A_519 = arith.constant 256 : i32
    %scan3A_520 = arith.addi %scan3A_518, %scan3A_519 : i32
    %scan3A_521 = arith.constant 1 : i32
    %scan3A_522:8 = scf.for %scan3A_583 = %scan3A_518 to %scan3A_520 step %scan3A_521 iter_args(%scan3A_584 = %scan3A_486#0, %scan3A_585 = %scan3A_486#1, %scan3A_586 = %scan3A_486#2, %scan3A_587 = %scan3A_486#3, %scan3A_588 = %scan3A_486#4, %scan3A_589 = %scan3A_486#5, %scan3A_590 = %scan3A_486#6, %scan3A_591 = %scan3A_486#7) -> (vector<16xf32>, vector<16xf32>, vector<16xf32>, vector<16xf32>, vector<16xf32>, vector<16xf32>, vector<16xf32>, vector<16xf32>)  : i32 {
      %get3A = arith.index_cast %scan3A_583 : i32 to index
      %get3A_592 = arith.constant 0 : index
      %get3A_593 = tpu.vector_load %arg8[%get3A, %get3A_592] {strides = array<i32>} : memref<256x64xf32, #tpu.memory_space<vmem>>, vector<1x16xf32>,
      %get3A_594 = vector.shape_cast %get3A_593 : vector<1x16xf32> to vector<16xf32>
      %get3A_595 = arith.index_cast %scan3A_583 : i32 to index
      %get3A_596 = arith.constant 0 : index
      %get3A_597 = tpu.vector_load %arg10[%get3A_595, %get3A_596] {strides = array<i32>} : memref<256x64xf32, #tpu.memory_space<vmem>>, vector<1x16xf32>,
      %get3A_598 = vector.shape_cast %get3A_597 : vector<1x16xf32> to vector<16xf32>
      %add3A_599 = arith.addf %get3A_594, %get3A_598 : vector<16xf32>
      %swap3A_600 = arith.index_cast %scan3A_583 : i32 to index
      %swap3A_601 = arith.constant 0 : index
      %swap3A_602 = tpu.vector_load %arg8[%swap3A_600, %swap3A_601] {strides = array<i32>} : memref<256x64xf32, #tpu.memory_space<vmem>>, vector<1x16xf32>,
      %swap3A_603 = vector.shape_cast %swap3A_602 : vector<1x16xf32> to vector<16xf32>
      %swap3A_604 = vector.shape_cast %add3A_599 : vector<16xf32> to vector<1x16xf32>
      tpu.vector_store %arg8[%swap3A_600, %swap3A_601], %swap3A_604 {strides = array<i32>} : memref<256x64xf32, #tpu.memory_space<vmem>>, vector<1x16xf32>,
      %add3A_605 = arith.addf %scan3A_584, %add3A_599 : vector<16xf32>
      %mul3A_606 = arith.mulf %add3A_599, %add3A_599 : vector<16xf32>
      %add3A_607 = arith.addf %scan3A_588, %mul3A_606 : vector<16xf32>
      %get3A_608 = arith.index_cast %scan3A_583 : i32 to index
      %get3A_609 = arith.constant 16 : index
      %get3A_610 = tpu.vector_load %arg8[%get3A_608, %get3A_609] {strides = array<i32>} : memref<256x64xf32, #tpu.memory_space<vmem>>, vector<1x16xf32>,
      %get3A_611 = vector.shape_cast %get3A_610 : vector<1x16xf32> to vector<16xf32>
      %get3A_612 = arith.index_cast %scan3A_583 : i32 to index
      %get3A_613 = arith.constant 16 : index
      %get3A_614 = tpu.vector_load %arg10[%get3A_612, %get3A_613] {strides = array<i32>} : memref<256x64xf32, #tpu.memory_space<vmem>>, vector<1x16xf32>,
      %get3A_615 = vector.shape_cast %get3A_614 : vector<1x16xf32> to vector<16xf32>
      %add3A_616 = arith.addf %get3A_611, %get3A_615 : vector<16xf32>
      %swap3A_617 = arith.index_cast %scan3A_583 : i32 to index
      %swap3A_618 = arith.constant 16 : index
      %swap3A_619 = tpu.vector_load %arg8[%swap3A_617, %swap3A_618] {strides = array<i32>} : memref<256x64xf32, #tpu.memory_space<vmem>>, vector<1x16xf32>,
      %swap3A_620 = vector.shape_cast %swap3A_619 : vector<1x16xf32> to vector<16xf32>
      %swap3A_621 = vector.shape_cast %add3A_616 : vector<16xf32> to vector<1x16xf32>
      tpu.vector_store %arg8[%swap3A_617, %swap3A_618], %swap3A_621 {strides = array<i32>} : memref<256x64xf32, #tpu.memory_space<vmem>>, vector<1x16xf32>,
      %add3A_622 = arith.addf %scan3A_585, %add3A_616 : vector<16xf32>
      %mul3A_623 = arith.mulf %add3A_616, %add3A_616 : vector<16xf32>
      %add3A_624 = arith.addf %scan3A_589, %mul3A_623 : vector<16xf32>
      %get3A_625 = arith.index_cast %scan3A_583 : i32 to index
      %get3A_626 = arith.constant 32 : index
      %get3A_627 = tpu.vector_load %arg8[%get3A_625, %get3A_626] {strides = array<i32>} : memref<256x64xf32, #tpu.memory_space<vmem>>, vector<1x16xf32>,
      %get3A_628 = vector.shape_cast %get3A_627 : vector<1x16xf32> to vector<16xf32>
      %get3A_629 = arith.index_cast %scan3A_583 : i32 to index
      %get3A_630 = arith.constant 32 : index
      %get3A_631 = tpu.vector_load %arg10[%get3A_629, %get3A_630] {strides = array<i32>} : memref<256x64xf32, #tpu.memory_space<vmem>>, vector<1x16xf32>,
      %get3A_632 = vector.shape_cast %get3A_631 : vector<1x16xf32> to vector<16xf32>
      %add3A_633 = arith.addf %get3A_628, %get3A_632 : vector<16xf32>
      %swap3A_634 = arith.index_cast %scan3A_583 : i32 to index
      %swap3A_635 = arith.constant 32 : index
      %swap3A_636 = tpu.vector_load %arg8[%swap3A_634, %swap3A_635] {strides = array<i32>} : memref<256x64xf32, #tpu.memory_space<vmem>>, vector<1x16xf32>,
      %swap3A_637 = vector.shape_cast %swap3A_636 : vector<1x16xf32> to vector<16xf32>
      %swap3A_638 = vector.shape_cast %add3A_633 : vector<16xf32> to vector<1x16xf32>
      tpu.vector_store %arg8[%swap3A_634, %swap3A_635], %swap3A_638 {strides = array<i32>} : memref<256x64xf32, #tpu.memory_space<vmem>>, vector<1x16xf32>,
      %add3A_639 = arith.addf %scan3A_586, %add3A_633 : vector<16xf32>
      %mul3A_640 = arith.mulf %add3A_633, %add3A_633 : vector<16xf32>
      %add3A_641 = arith.addf %scan3A_590, %mul3A_640 : vector<16xf32>
      %get3A_642 = arith.index_cast %scan3A_583 : i32 to index
      %get3A_643 = arith.constant 48 : index
      %get3A_644 = tpu.vector_load %arg8[%get3A_642, %get3A_643] {strides = array<i32>} : memref<256x64xf32, #tpu.memory_space<vmem>>, vector<1x16xf32>,
      %get3A_645 = vector.shape_cast %get3A_644 : vector<1x16xf32> to vector<16xf32>
      %get3A_646 = arith.index_cast %scan3A_583 : i32 to index
      %get3A_647 = arith.constant 48 : index
      %get3A_648 = tpu.vector_load %arg10[%get3A_646, %get3A_647] {strides = array<i32>} : memref<256x64xf32, #tpu.memory_space<vmem>>, vector<1x16xf32>,
      %get3A_649 = vector.shape_cast %get3A_648 : vector<1x16xf32> to vector<16xf32>
      %add3A_650 = arith.addf %get3A_645, %get3A_649 : vector<16xf32>
      %swap3A_651 = arith.index_cast %scan3A_583 : i32 to index
      %swap3A_652 = arith.constant 48 : index
      %swap3A_653 = tpu.vector_load %arg8[%swap3A_651, %swap3A_652] {strides = array<i32>} : memref<256x64xf32, #tpu.memory_space<vmem>>, vector<1x16xf32>,
      %swap3A_654 = vector.shape_cast %swap3A_653 : vector<1x16xf32> to vector<16xf32>
      %swap3A_655 = vector.shape_cast %add3A_650 : vector<16xf32> to vector<1x16xf32>
      tpu.vector_store %arg8[%swap3A_651, %swap3A_652], %swap3A_655 {strides = array<i32>} : memref<256x64xf32, #tpu.memory_space<vmem>>, vector<1x16xf32>,
      %add3A_656 = arith.addf %scan3A_587, %add3A_650 : vector<16xf32>
      %mul3A_657 = arith.mulf %add3A_650, %add3A_650 : vector<16xf32>
      %add3A_658 = arith.addf %scan3A_591, %mul3A_657 : vector<16xf32>
      scf.yield %add3A_605, %add3A_622, %add3A_639, %add3A_656, %add3A_607, %add3A_624, %add3A_641, %add3A_658 : vector<16xf32>, vector<16xf32>, vector<16xf32>, vector<16xf32>, vector<16xf32>, vector<16xf32>, vector<16xf32>, vector<16xf32>
    }
    %scan3A_523 = arith.constant 256 : i32
    %dma_start3A_524 = arith.constant 0 : i32
    %dma_start3A_525 = tpu.memref_slice %arg5[%mul3A_497, %dma_start3A_524] : memref<40960x64xf32, #tpu.memory_space<hbm>> -> memref<256x64xf32, #tpu.memory_space<hbm>>
    %dma_start3A_526 = arith.constant 0 : i32
    %dma_start3A_527 = tpu.memref_slice %arg5[%mul3A_497, %dma_start3A_526] : memref<40960x64xf32, #tpu.memory_space<hbm>> -> memref<256x64xf32, #tpu.memory_space<hbm>>
    tpu.enqueue_dma source(%arg8 : memref<256x64xf32, #tpu.memory_space<vmem>>) target(%dma_start3A_527 : memref<256x64xf32, #tpu.memory_space<hbm>>) target_semaphore(%arg15 : memref<!tpu.dma_semaphore, #tpu.memory_space<semaphore_mem>>)
    %dma_wait3A_528 = arith.constant 0 : i32
    %dma_wait3A_529 = tpu.memref_slice %arg5[%mul3A_497, %dma_wait3A_528] : memref<40960x64xf32, #tpu.memory_space<hbm>> -> memref<256x64xf32, #tpu.memory_space<hbm>>
    %dma_wait3A_530 = arith.constant 0 : i32
    %dma_wait3A_531 = tpu.memref_slice %arg5[%mul3A_497, %dma_wait3A_530] : memref<40960x64xf32, #tpu.memory_space<hbm>> -> memref<256x64xf32, #tpu.memory_space<hbm>>
    tpu.wait_dma2 semaphore(%arg15 : memref<!tpu.dma_semaphore, #tpu.memory_space<semaphore_mem>>) src(%arg8 : memref<256x64xf32, #tpu.memory_space<vmem>>) dst(%dma_wait3A_531 : memref<256x64xf32, #tpu.memory_space<hbm>>)
    %dma_wait3A_532 = arith.constant 0 : i32
    %dma_wait3A_533 = tpu.memref_slice %arg5[%mul3A_388, %dma_wait3A_532] : memref<40960x64xf32, #tpu.memory_space<hbm>> -> memref<256x64xf32, #tpu.memory_space<hbm>>
    %dma_wait3A_534 = arith.constant 0 : i32
    %dma_wait3A_535 = tpu.memref_slice %arg5[%mul3A_388, %dma_wait3A_534] : memref<40960x64xf32, #tpu.memory_space<hbm>> -> memref<256x64xf32, #tpu.memory_space<hbm>>
    tpu.wait_dma2 semaphore(%arg16 : memref<!tpu.dma_semaphore, #tpu.memory_space<semaphore_mem>>) src(%arg9 : memref<256x64xf32, #tpu.memory_space<vmem>>) dst(%dma_wait3A_535 : memref<256x64xf32, #tpu.memory_space<hbm>>)
    %swap3A = arith.constant 0 : i32
    %swap3A_536 = arith.index_cast %swap3A : i32 to index
    %swap3A_537 = arith.constant 0 : index
    %swap3A_538 = tpu.vector_load %arg12[%swap3A_536, %swap3A_537] {strides = array<i32>} : memref<1x128xf32, #tpu.memory_space<vmem>>, vector<1x16xf32>,
    %swap3A_539 = vector.shape_cast %swap3A_538 : vector<1x16xf32> to vector<16xf32>
    %swap3A_540 = vector.shape_cast %scan3A_522#0 : vector<16xf32> to vector<1x16xf32>
    tpu.vector_store %arg12[%swap3A_536, %swap3A_537], %swap3A_540 {strides = array<i32>} : memref<1x128xf32, #tpu.memory_space<vmem>>, vector<1x16xf32>,
    %swap3A_541 = arith.constant 0 : i32
    %swap3A_542 = arith.index_cast %swap3A_541 : i32 to index
    %swap3A_543 = arith.constant 64 : index
    %swap3A_544 = tpu.vector_load %arg12[%swap3A_542, %swap3A_543] {strides = array<i32>} : memref<1x128xf32, #tpu.memory_space<vmem>>, vector<1x16xf32>,
    %swap3A_545 = vector.shape_cast %swap3A_544 : vector<1x16xf32> to vector<16xf32>
    %swap3A_546 = vector.shape_cast %scan3A_522#4 : vector<16xf32> to vector<1x16xf32>
    tpu.vector_store %arg12[%swap3A_542, %swap3A_543], %swap3A_546 {strides = array<i32>} : memref<1x128xf32, #tpu.memory_space<vmem>>, vector<1x16xf32>,
    %swap3A_547 = arith.constant 0 : i32
    %swap3A_548 = arith.index_cast %swap3A_547 : i32 to index
    %swap3A_549 = arith.constant 16 : index
    %swap3A_550 = tpu.vector_load %arg12[%swap3A_548, %swap3A_549] {strides = array<i32>} : memref<1x128xf32, #tpu.memory_space<vmem>>, vector<1x16xf32>,
    %swap3A_551 = vector.shape_cast %swap3A_550 : vector<1x16xf32> to vector<16xf32>
    %swap3A_552 = vector.shape_cast %scan3A_522#1 : vector<16xf32> to vector<1x16xf32>
    tpu.vector_store %arg12[%swap3A_548, %swap3A_549], %swap3A_552 {strides = array<i32>} : memref<1x128xf32, #tpu.memory_space<vmem>>, vector<1x16xf32>,
    %swap3A_553 = arith.constant 0 : i32
    %swap3A_554 = arith.index_cast %swap3A_553 : i32 to index
    %swap3A_555 = arith.constant 80 : index
    %swap3A_556 = tpu.vector_load %arg12[%swap3A_554, %swap3A_555] {strides = array<i32>} : memref<1x128xf32, #tpu.memory_space<vmem>>, vector<1x16xf32>,
    %swap3A_557 = vector.shape_cast %swap3A_556 : vector<1x16xf32> to vector<16xf32>
    %swap3A_558 = vector.shape_cast %scan3A_522#5 : vector<16xf32> to vector<1x16xf32>
    tpu.vector_store %arg12[%swap3A_554, %swap3A_555], %swap3A_558 {strides = array<i32>} : memref<1x128xf32, #tpu.memory_space<vmem>>, vector<1x16xf32>,
    %swap3A_559 = arith.constant 0 : i32
    %swap3A_560 = arith.index_cast %swap3A_559 : i32 to index
    %swap3A_561 = arith.constant 32 : index
    %swap3A_562 = tpu.vector_load %arg12[%swap3A_560, %swap3A_561] {strides = array<i32>} : memref<1x128xf32, #tpu.memory_space<vmem>>, vector<1x16xf32>,
    %swap3A_563 = vector.shape_cast %swap3A_562 : vector<1x16xf32> to vector<16xf32>
    %swap3A_564 = vector.shape_cast %scan3A_522#2 : vector<16xf32> to vector<1x16xf32>
    tpu.vector_store %arg12[%swap3A_560, %swap3A_561], %swap3A_564 {strides = array<i32>} : memref<1x128xf32, #tpu.memory_space<vmem>>, vector<1x16xf32>,
    %swap3A_565 = arith.constant 0 : i32
    %swap3A_566 = arith.index_cast %swap3A_565 : i32 to index
    %swap3A_567 = arith.constant 96 : index
    %swap3A_568 = tpu.vector_load %arg12[%swap3A_566, %swap3A_567] {strides = array<i32>} : memref<1x128xf32, #tpu.memory_space<vmem>>, vector<1x16xf32>,
    %swap3A_569 = vector.shape_cast %swap3A_568 : vector<1x16xf32> to vector<16xf32>
    %swap3A_570 = vector.shape_cast %scan3A_522#6 : vector<16xf32> to vector<1x16xf32>
    tpu.vector_store %arg12[%swap3A_566, %swap3A_567], %swap3A_570 {strides = array<i32>} : memref<1x128xf32, #tpu.memory_space<vmem>>, vector<1x16xf32>,
    %swap3A_571 = arith.constant 0 : i32
    %swap3A_572 = arith.index_cast %swap3A_571 : i32 to index
    %swap3A_573 = arith.constant 48 : index
    %swap3A_574 = tpu.vector_load %arg12[%swap3A_572, %swap3A_573] {strides = array<i32>} : memref<1x128xf32, #tpu.memory_space<vmem>>, vector<1x16xf32>,
    %swap3A_575 = vector.shape_cast %swap3A_574 : vector<1x16xf32> to vector<16xf32>
    %swap3A_576 = vector.shape_cast %scan3A_522#3 : vector<16xf32> to vector<1x16xf32>
    tpu.vector_store %arg12[%swap3A_572, %swap3A_573], %swap3A_576 {strides = array<i32>} : memref<1x128xf32, #tpu.memory_space<vmem>>, vector<1x16xf32>,
    %swap3A_577 = arith.constant 0 : i32
    %swap3A_578 = arith.index_cast %swap3A_577 : i32 to index
    %swap3A_579 = arith.constant 112 : index
    %swap3A_580 = tpu.vector_load %arg12[%swap3A_578, %swap3A_579] {strides = array<i32>} : memref<1x128xf32, #tpu.memory_space<vmem>>, vector<1x16xf32>,
    %swap3A_581 = vector.shape_cast %swap3A_580 : vector<1x16xf32> to vector<16xf32>
    %swap3A_582 = vector.shape_cast %scan3A_522#7 : vector<16xf32> to vector<1x16xf32>
    tpu.vector_store %arg12[%swap3A_578, %swap3A_579], %swap3A_582 {strides = array<i32>} : memref<1x128xf32, #tpu.memory_space<vmem>>, vector<1x16xf32>,
    "tpu.region"() ({
      %run_scoped3A = tpu.sem_alloc : memref<!tpu.dma_semaphore, #tpu.memory_space<semaphore_mem>>
      %dma_start3A_583 = arith.constant 0 : i32
      %dma_start3A_584 = tpu.memref_slice %arg6[%add3A, %dma_start3A_583] : memref<32x128xf32, #tpu.memory_space<hbm>> -> memref<1x128xf32, #tpu.memory_space<hbm>>
      %dma_start3A_585 = arith.constant 0 : i32
      %dma_start3A_586 = tpu.memref_slice %arg6[%add3A, %dma_start3A_585] : memref<32x128xf32, #tpu.memory_space<hbm>> -> memref<1x128xf32, #tpu.memory_space<hbm>>
      tpu.enqueue_dma source(%arg12 : memref<1x128xf32, #tpu.memory_space<vmem>>) target(%dma_start3A_586 : memref<1x128xf32, #tpu.memory_space<hbm>>) target_semaphore(%run_scoped3A : memref<!tpu.dma_semaphore, #tpu.memory_space<semaphore_mem>>)
      %dma_wait3A_587 = arith.constant 0 : i32
      %dma_wait3A_588 = tpu.memref_slice %arg6[%add3A, %dma_wait3A_587] : memref<32x128xf32, #tpu.memory_space<hbm>> -> memref<1x128xf32, #tpu.memory_space<hbm>>
      %dma_wait3A_589 = arith.constant 0 : i32
      %dma_wait3A_590 = tpu.memref_slice %arg6[%add3A, %dma_wait3A_589] : memref<32x128xf32, #tpu.memory_space<hbm>> -> memref<1x128xf32, #tpu.memory_space<hbm>>
      tpu.wait_dma2 semaphore(%run_scoped3A : memref<!tpu.dma_semaphore, #tpu.memory_space<semaphore_mem>>) src(%arg12 : memref<1x128xf32, #tpu.memory_space<vmem>>) dst(%dma_wait3A_590 : memref<1x128xf32, #tpu.memory_space<hbm>>)
      tpu.yield
    }) : () -> ()
    return
  }
}

module attributes {stable_mosaic.version = 14 : i64} {
  func.func @_norm_kernel(%arg0: i32, %arg1: i32, %arg2: memref<1x4x1024x64xf32, #tpu.memory_space<vmem>>, %arg3: memref<32x128xf32, #tpu.memory_space<vmem>>, %arg4: memref<1x64xf32, #tpu.memory_space<vmem>>, %arg5: memref<1x64xf32, #tpu.memory_space<vmem>>, %arg6: memref<1x4x64x1024xf32, #tpu.memory_space<vmem>>) attributes {dimension_semantics = [#tpu.dimension_semantics<arbitrary>, #tpu.dimension_semantics<arbitrary>], iteration_bounds = array<i64: 2, 5>, scalar_prefetch = 0 : i64, scratch_operands = 0 : i64, tpu.core_type = #tpu.core_type<tc>, window_params = [{transform_indices = @transform_0, window_bounds = array<i64: 1, 4, 1024, 64>}, {pipeline_mode = #tpu.pipeline_mode<synchronous>, transform_indices = @transform_1, window_bounds = array<i64: 32, 128>}, {pipeline_mode = #tpu.pipeline_mode<synchronous>, transform_indices = @transform_2, window_bounds = array<i64: 1, 64>}, {pipeline_mode = #tpu.pipeline_mode<synchronous>, transform_indices = @transform_3, window_bounds = array<i64: 1, 64>}, {transform_indices = @transform_4, window_bounds = array<i64: 1, 4, 64, 1024>}]} {
    %iota3A = tpu.iota {dimensions = array<i32: 0>} : vector<64x64xi32>
    %iota3A_0 = tpu.iota {dimensions = array<i32: 1>} : vector<64x64xi32>
    %eq3A = arith.cmpi eq, %iota3A, %iota3A_0 : vector<64x64xi32>
    %convert_element_type3A = arith.extui %eq3A : vector<64x64xi1> to vector<64x64xi32>
    %convert_element_type3A_1 = arith.sitofp %convert_element_type3A : vector<64x64xi32> to vector<64x64xf32>
    %get3A = arith.constant 0 : index
    %get3A_2 = arith.constant 0 : index
    %get3A_3 = vector.load %arg3[%get3A, %get3A_2] : memref<32x128xf32, #tpu.memory_space<vmem>>, vector<32x128xf32>
    %reduce_sum3A = arith.constant dense<0.000000e+00> : vector<128xf32>
    %reduce_sum3A_4 = vector.multi_reduction <add>, %get3A_3, %reduce_sum3A [0] : vector<32x128xf32> to vector<128xf32>
    %broadcast_in_dim3A = vector.shape_cast %reduce_sum3A_4 : vector<128xf32> to vector<1x128xf32>
    %slice3A = vector.extract_strided_slice %broadcast_in_dim3A {offsets = [0, 0], sizes = [1, 64], strides = [1, 1]} : vector<1x128xf32> to vector<1x64xf32>
    %mul3A = arith.constant 2.44140629E-5 : f32
    %mul3A_5 = vector.broadcast %mul3A : f32 to vector<1x64xf32>
    %mul3A_6 = arith.mulf %slice3A, %mul3A_5 : vector<1x64xf32>
    %slice3A_7 = vector.extract_strided_slice %broadcast_in_dim3A {offsets = [0, 64], sizes = [1, 64], strides = [1, 1]} : vector<1x128xf32> to vector<1x64xf32>
    %mul3A_8 = arith.constant 2.44140629E-5 : f32
    %mul3A_9 = vector.broadcast %mul3A_8 : f32 to vector<1x64xf32>
    %mul3A_10 = arith.mulf %slice3A_7, %mul3A_9 : vector<1x64xf32>
    %mul3A_11 = arith.mulf %mul3A_6, %mul3A_6 : vector<1x64xf32>
    %sub3A = arith.subf %mul3A_10, %mul3A_11 : vector<1x64xf32>
    %get3A_12 = arith.constant 0 : index
    %get3A_13 = arith.constant 0 : index
    %get3A_14 = vector.load %arg4[%get3A_12, %get3A_13] : memref<1x64xf32, #tpu.memory_space<vmem>>, vector<1x64xf32>
    %add3A = arith.constant 9.99999974E-6 : f32
    %add3A_15 = vector.broadcast %add3A : f32 to vector<1x64xf32>
    %add3A_16 = arith.addf %sub3A, %add3A_15 : vector<1x64xf32>
    %sqrt3A = math.sqrt %add3A_16 : vector<1x64xf32>
    %div3A = arith.divf %get3A_14, %sqrt3A : vector<1x64xf32>
    %get3A_17 = arith.constant 0 : index
    %get3A_18 = arith.constant 0 : index
    %get3A_19 = vector.load %arg5[%get3A_17, %get3A_18] : memref<1x64xf32, #tpu.memory_space<vmem>>, vector<1x64xf32>
    %mul3A_20 = arith.mulf %mul3A_6, %div3A : vector<1x64xf32>
    %sub3A_21 = arith.subf %get3A_19, %mul3A_20 : vector<1x64xf32>
    %dot_general3A = arith.constant dense<0.000000e+00> : vector<64x1xf32>
    %dot_general3A_22 = tpu.matmul %convert_element_type3A_1, %div3A, %dot_general3A {dimension_numbers = #tpu.dot_dimension_numbers<[1], [1], [0], [0], [0, 0, 1, 0], [], []>, precision = #tpu.contract_precision<fp32>, transpose_lhs_hint = false} : vector<64x64xf32>, vector<1x64xf32>, vector<64x1xf32> -> vector<64x1xf32>
    %dot_general3A_23 = arith.constant dense<0.000000e+00> : vector<64x1xf32>
    %dot_general3A_24 = tpu.matmul %convert_element_type3A_1, %sub3A_21, %dot_general3A_23 {dimension_numbers = #tpu.dot_dimension_numbers<[1], [1], [0], [0], [0, 0, 1, 0], [], []>, precision = #tpu.contract_precision<fp32>, transpose_lhs_hint = false} : vector<64x64xf32>, vector<1x64xf32>, vector<64x1xf32> -> vector<64x1xf32>
    %get3A_25 = arith.constant 0 : index
    %get3A_26 = arith.constant 0 : index
    %get3A_27 = arith.constant 0 : index
    %get3A_28 = arith.constant 0 : index
    %get3A_29 = vector.load %arg2[%get3A_25, %get3A_26, %get3A_27, %get3A_28] : memref<1x4x1024x64xf32, #tpu.memory_space<vmem>>, vector<1x1x1024x64xf32>
    %get3A_30 = vector.shape_cast %get3A_29 : vector<1x1x1024x64xf32> to vector<1024x64xf32>
    %dot_general3A_31 = arith.constant dense<0.000000e+00> : vector<64x1024xf32>
    %dot_general3A_32 = tpu.matmul %convert_element_type3A_1, %get3A_30, %dot_general3A_31 {dimension_numbers = #tpu.dot_dimension_numbers<[1], [1], [0], [0], [0, 0, 1, 0], [], []>, precision = #tpu.contract_precision<fp32>, transpose_lhs_hint = false} : vector<64x64xf32>, vector<1024x64xf32>, vector<64x1024xf32> -> vector<64x1024xf32>
    %mul3A_33 = vector.broadcast %dot_general3A_22 : vector<64x1xf32> to vector<64x1024xf32>
    %mul3A_34 = arith.mulf %dot_general3A_32, %mul3A_33 : vector<64x1024xf32>
    %add3A_35 = vector.broadcast %dot_general3A_24 : vector<64x1xf32> to vector<64x1024xf32>
    %add3A_36 = arith.addf %mul3A_34, %add3A_35 : vector<64x1024xf32>
    %max3A = arith.constant 0.000000e+00 : f32
    %max3A_37 = vector.broadcast %max3A : f32 to vector<64x1024xf32>
    %max3A_38 = arith.maximumf %add3A_36, %max3A_37 : vector<64x1024xf32>
    %swap3A = arith.constant 0 : index
    %swap3A_39 = arith.constant 0 : index
    %swap3A_40 = arith.constant 0 : index
    %swap3A_41 = arith.constant 0 : index
    %swap3A_42 = vector.load %arg6[%swap3A, %swap3A_39, %swap3A_40, %swap3A_41] : memref<1x4x64x1024xf32, #tpu.memory_space<vmem>>, vector<1x1x64x1024xf32>
    %swap3A_43 = vector.shape_cast %swap3A_42 : vector<1x1x64x1024xf32> to vector<64x1024xf32>
    %swap3A_44 = vector.shape_cast %max3A_38 : vector<64x1024xf32> to vector<1x1x64x1024xf32>
    tpu.vector_store %arg6[%swap3A, %swap3A_39, %swap3A_40, %swap3A_41], %swap3A_44 {strides = array<i32>} : memref<1x4x64x1024xf32, #tpu.memory_space<vmem>>, vector<1x1x64x1024xf32>,
    %get3A_45 = arith.constant 0 : index
    %get3A_46 = arith.constant 1 : index
    %get3A_47 = arith.constant 0 : index
    %get3A_48 = arith.constant 0 : index
    %get3A_49 = vector.load %arg2[%get3A_45, %get3A_46, %get3A_47, %get3A_48] : memref<1x4x1024x64xf32, #tpu.memory_space<vmem>>, vector<1x1x1024x64xf32>
    %get3A_50 = vector.shape_cast %get3A_49 : vector<1x1x1024x64xf32> to vector<1024x64xf32>
    %dot_general3A_51 = arith.constant dense<0.000000e+00> : vector<64x1024xf32>
    %dot_general3A_52 = tpu.matmul %convert_element_type3A_1, %get3A_50, %dot_general3A_51 {dimension_numbers = #tpu.dot_dimension_numbers<[1], [1], [0], [0], [0, 0, 1, 0], [], []>, precision = #tpu.contract_precision<fp32>, transpose_lhs_hint = false} : vector<64x64xf32>, vector<1024x64xf32>, vector<64x1024xf32> -> vector<64x1024xf32>
    %mul3A_53 = vector.broadcast %dot_general3A_22 : vector<64x1xf32> to vector<64x1024xf32>
    %mul3A_54 = arith.mulf %dot_general3A_52, %mul3A_53 : vector<64x1024xf32>
    %add3A_55 = vector.broadcast %dot_general3A_24 : vector<64x1xf32> to vector<64x1024xf32>
    %add3A_56 = arith.addf %mul3A_54, %add3A_55 : vector<64x1024xf32>
    %max3A_57 = arith.constant 0.000000e+00 : f32
    %max3A_58 = vector.broadcast %max3A_57 : f32 to vector<64x1024xf32>
    %max3A_59 = arith.maximumf %add3A_56, %max3A_58 : vector<64x1024xf32>
    %swap3A_60 = arith.constant 0 : index
    %swap3A_61 = arith.constant 1 : index
    %swap3A_62 = arith.constant 0 : index
    %swap3A_63 = arith.constant 0 : index
    %swap3A_64 = vector.load %arg6[%swap3A_60, %swap3A_61, %swap3A_62, %swap3A_63] : memref<1x4x64x1024xf32, #tpu.memory_space<vmem>>, vector<1x1x64x1024xf32>
    %swap3A_65 = vector.shape_cast %swap3A_64 : vector<1x1x64x1024xf32> to vector<64x1024xf32>
    %swap3A_66 = vector.shape_cast %max3A_59 : vector<64x1024xf32> to vector<1x1x64x1024xf32>
    tpu.vector_store %arg6[%swap3A_60, %swap3A_61, %swap3A_62, %swap3A_63], %swap3A_66 {strides = array<i32>} : memref<1x4x64x1024xf32, #tpu.memory_space<vmem>>, vector<1x1x64x1024xf32>,
    %get3A_67 = arith.constant 0 : index
    %get3A_68 = arith.constant 2 : index
    %get3A_69 = arith.constant 0 : index
    %get3A_70 = arith.constant 0 : index
    %get3A_71 = vector.load %arg2[%get3A_67, %get3A_68, %get3A_69, %get3A_70] : memref<1x4x1024x64xf32, #tpu.memory_space<vmem>>, vector<1x1x1024x64xf32>
    %get3A_72 = vector.shape_cast %get3A_71 : vector<1x1x1024x64xf32> to vector<1024x64xf32>
    %dot_general3A_73 = arith.constant dense<0.000000e+00> : vector<64x1024xf32>
    %dot_general3A_74 = tpu.matmul %convert_element_type3A_1, %get3A_72, %dot_general3A_73 {dimension_numbers = #tpu.dot_dimension_numbers<[1], [1], [0], [0], [0, 0, 1, 0], [], []>, precision = #tpu.contract_precision<fp32>, transpose_lhs_hint = false} : vector<64x64xf32>, vector<1024x64xf32>, vector<64x1024xf32> -> vector<64x1024xf32>
    %mul3A_75 = vector.broadcast %dot_general3A_22 : vector<64x1xf32> to vector<64x1024xf32>
    %mul3A_76 = arith.mulf %dot_general3A_74, %mul3A_75 : vector<64x1024xf32>
    %add3A_77 = vector.broadcast %dot_general3A_24 : vector<64x1xf32> to vector<64x1024xf32>
    %add3A_78 = arith.addf %mul3A_76, %add3A_77 : vector<64x1024xf32>
    %max3A_79 = arith.constant 0.000000e+00 : f32
    %max3A_80 = vector.broadcast %max3A_79 : f32 to vector<64x1024xf32>
    %max3A_81 = arith.maximumf %add3A_78, %max3A_80 : vector<64x1024xf32>
    %swap3A_82 = arith.constant 0 : index
    %swap3A_83 = arith.constant 2 : index
    %swap3A_84 = arith.constant 0 : index
    %swap3A_85 = arith.constant 0 : index
    %swap3A_86 = vector.load %arg6[%swap3A_82, %swap3A_83, %swap3A_84, %swap3A_85] : memref<1x4x64x1024xf32, #tpu.memory_space<vmem>>, vector<1x1x64x1024xf32>
    %swap3A_87 = vector.shape_cast %swap3A_86 : vector<1x1x64x1024xf32> to vector<64x1024xf32>
    %swap3A_88 = vector.shape_cast %max3A_81 : vector<64x1024xf32> to vector<1x1x64x1024xf32>
    tpu.vector_store %arg6[%swap3A_82, %swap3A_83, %swap3A_84, %swap3A_85], %swap3A_88 {strides = array<i32>} : memref<1x4x64x1024xf32, #tpu.memory_space<vmem>>, vector<1x1x64x1024xf32>,
    %get3A_89 = arith.constant 0 : index
    %get3A_90 = arith.constant 3 : index
    %get3A_91 = arith.constant 0 : index
    %get3A_92 = arith.constant 0 : index
    %get3A_93 = vector.load %arg2[%get3A_89, %get3A_90, %get3A_91, %get3A_92] : memref<1x4x1024x64xf32, #tpu.memory_space<vmem>>, vector<1x1x1024x64xf32>
    %get3A_94 = vector.shape_cast %get3A_93 : vector<1x1x1024x64xf32> to vector<1024x64xf32>
    %dot_general3A_95 = arith.constant dense<0.000000e+00> : vector<64x1024xf32>
    %dot_general3A_96 = tpu.matmul %convert_element_type3A_1, %get3A_94, %dot_general3A_95 {dimension_numbers = #tpu.dot_dimension_numbers<[1], [1], [0], [0], [0, 0, 1, 0], [], []>, precision = #tpu.contract_precision<fp32>, transpose_lhs_hint = false} : vector<64x64xf32>, vector<1024x64xf32>, vector<64x1024xf32> -> vector<64x1024xf32>
    %mul3A_97 = vector.broadcast %dot_general3A_22 : vector<64x1xf32> to vector<64x1024xf32>
    %mul3A_98 = arith.mulf %dot_general3A_96, %mul3A_97 : vector<64x1024xf32>
    %add3A_99 = vector.broadcast %dot_general3A_24 : vector<64x1xf32> to vector<64x1024xf32>
    %add3A_100 = arith.addf %mul3A_98, %add3A_99 : vector<64x1024xf32>
    %max3A_101 = arith.constant 0.000000e+00 : f32
    %max3A_102 = vector.broadcast %max3A_101 : f32 to vector<64x1024xf32>
    %max3A_103 = arith.maximumf %add3A_100, %max3A_102 : vector<64x1024xf32>
    %swap3A_104 = arith.constant 0 : index
    %swap3A_105 = arith.constant 3 : index
    %swap3A_106 = arith.constant 0 : index
    %swap3A_107 = arith.constant 0 : index
    %swap3A_108 = vector.load %arg6[%swap3A_104, %swap3A_105, %swap3A_106, %swap3A_107] : memref<1x4x64x1024xf32, #tpu.memory_space<vmem>>, vector<1x1x64x1024xf32>
    %swap3A_109 = vector.shape_cast %swap3A_108 : vector<1x1x64x1024xf32> to vector<64x1024xf32>
    %swap3A_110 = vector.shape_cast %max3A_103 : vector<64x1024xf32> to vector<1x1x64x1024xf32>
    tpu.vector_store %arg6[%swap3A_104, %swap3A_105, %swap3A_106, %swap3A_107], %swap3A_110 {strides = array<i32>} : memref<1x4x64x1024xf32, #tpu.memory_space<vmem>>, vector<1x1x64x1024xf32>,
    return
  }
  func.func @transform_0(%arg0: i32, %arg1: i32) -> (i32, i32, i32, i32) {
    %c0_i32 = arith.constant 0 : i32
    %c0_i32_0 = arith.constant 0 : i32
    %c0_i32_1 = arith.constant 0 : i32
    return %arg0, %arg1, %c0_i32, %c0_i32_0 : i32, i32, i32, i32
  }
  func.func @transform_1(%arg0: i32, %arg1: i32) -> (i32, i32) {
    %c0_i32 = arith.constant 0 : i32
    %c0_i32_0 = arith.constant 0 : i32
    %c0_i32_1 = arith.constant 0 : i32
    return %c0_i32, %c0_i32_0 : i32, i32
  }
  func.func @transform_2(%arg0: i32, %arg1: i32) -> (i32, i32) {
    %c0_i32 = arith.constant 0 : i32
    %c0_i32_0 = arith.constant 0 : i32
    %c0_i32_1 = arith.constant 0 : i32
    return %c0_i32, %c0_i32_0 : i32, i32
  }
  func.func @transform_3(%arg0: i32, %arg1: i32) -> (i32, i32) {
    %c0_i32 = arith.constant 0 : i32
    %c0_i32_0 = arith.constant 0 : i32
    %c0_i32_1 = arith.constant 0 : i32
    return %c0_i32, %c0_i32_0 : i32, i32
  }
  func.func @transform_4(%arg0: i32, %arg1: i32) -> (i32, i32, i32, i32) {
    %c0_i32 = arith.constant 0 : i32
    %c0_i32_0 = arith.constant 0 : i32
    %c0_i32_1 = arith.constant 0 : i32
    return %arg0, %arg1, %c0_i32, %c0_i32_0 : i32, i32, i32, i32
  }
}

module attributes {stable_mosaic.version = 14 : i64} {
  func.func @_knn_kernel(%arg0: i32, %arg1: i32, %arg2: memref<1x1024x1024xf32, #tpu.memory_space<vmem>>, %arg3: memref<1x1024x256xf32, #tpu.memory_space<vmem>>, %arg4: memref<64x2048xf32, #tpu.memory_space<vmem>>, %arg5: memref<1x20x256xi32, #tpu.memory_space<vmem>>, %arg6: memref<1x1024x64xf32, #tpu.memory_space<vmem>>, %arg7: memref<1x1024x64xf32, #tpu.memory_space<vmem>>) attributes {dimension_semantics = [#tpu.dimension_semantics<arbitrary>, #tpu.dimension_semantics<arbitrary>], iteration_bounds = array<i64: 2, 4>, scalar_prefetch = 0 : i64, scratch_operands = 0 : i64, tpu.core_type = #tpu.core_type<tc>, window_params = [{transform_indices = @transform_0, window_bounds = array<i64: 1, 1024, 1024>}, {transform_indices = @transform_1, window_bounds = array<i64: 1, 1024, 256>}, {pipeline_mode = #tpu.pipeline_mode<synchronous>, transform_indices = @transform_2, window_bounds = array<i64: 64, 2048>}, {transform_indices = @transform_3, window_bounds = array<i64: 1, 20, 256>}, {transform_indices = @transform_4, window_bounds = array<i64: 1, 1024, 64>}, {transform_indices = @transform_5, window_bounds = array<i64: 1, 1024, 64>}]} {
    %get3A = arith.constant 0 : index
    %get3A_0 = arith.constant 0 : index
    %get3A_1 = arith.constant 0 : index
    %get3A_2 = vector.load %arg2[%get3A, %get3A_0, %get3A_1] : memref<1x1024x1024xf32, #tpu.memory_space<vmem>>, vector<1x1024x1024xf32>
    %get3A_3 = vector.shape_cast %get3A_2 : vector<1x1024x1024xf32> to vector<1024x1024xf32>
    %get3A_4 = arith.constant 0 : index
    %get3A_5 = arith.constant 0 : index
    %get3A_6 = arith.constant 0 : index
    %get3A_7 = vector.load %arg3[%get3A_4, %get3A_5, %get3A_6] : memref<1x1024x256xf32, #tpu.memory_space<vmem>>, vector<1x1024x256xf32>
    %get3A_8 = vector.shape_cast %get3A_7 : vector<1x1024x256xf32> to vector<1024x256xf32>
    %eq3A = arith.constant 0 : i32
    %eq3A_9 = arith.cmpi eq, %arg1, %eq3A : i32
    %convert_element_type3A = arith.extui %eq3A_9 : i1 to i32
    %cond3A = arith.constant 0 : i32
    %cond3A_10 = arith.cmpi ne, %convert_element_type3A, %cond3A : i32
    scf.if %cond3A_10 {
      %get3A_352 = arith.constant 0 : index
      %get3A_353 = arith.constant 0 : index
      %get3A_354 = vector.load %arg4[%get3A_352, %get3A_353] : memref<64x2048xf32, #tpu.memory_space<vmem>>, vector<64x1024xf32>
      %get3A_355 = arith.constant 0 : index
      %get3A_356 = arith.constant 1024 : index
      %get3A_357 = vector.load %arg4[%get3A_355, %get3A_356] : memref<64x2048xf32, #tpu.memory_space<vmem>>, vector<64x1024xf32>
      %sub3A_358 = arith.subf %get3A_354, %get3A_357 : vector<64x1024xf32>
      %dot_general3A_359 = arith.constant dense<0.000000e+00> : vector<1024x64xf32>
      %dot_general3A_360 = tpu.matmul %get3A_3, %sub3A_358, %dot_general3A_359 {dimension_numbers = #tpu.dot_dimension_numbers<[1], [1], [0], [0], [0, 0, 1, 0], [], []>, transpose_lhs_hint = false} : vector<1024x1024xf32>, vector<64x1024xf32>, vector<1024x64xf32> -> vector<1024x64xf32>
      %swap3A_361 = arith.constant 0 : index
      %swap3A_362 = arith.constant 0 : index
      %swap3A_363 = arith.constant 0 : index
      %swap3A_364 = vector.load %arg6[%swap3A_361, %swap3A_362, %swap3A_363] : memref<1x1024x64xf32, #tpu.memory_space<vmem>>, vector<1x1024x64xf32>
      %swap3A_365 = vector.shape_cast %swap3A_364 : vector<1x1024x64xf32> to vector<1024x64xf32>
      %swap3A_366 = vector.shape_cast %dot_general3A_360 : vector<1024x64xf32> to vector<1x1024x64xf32>
      tpu.vector_store %arg6[%swap3A_361, %swap3A_362, %swap3A_363], %swap3A_366 {strides = array<i32>} : memref<1x1024x64xf32, #tpu.memory_space<vmem>>, vector<1x1024x64xf32>,
      %dot_general3A_367 = arith.constant dense<0.000000e+00> : vector<1024x64xf32>
      %dot_general3A_368 = tpu.matmul %get3A_3, %get3A_357, %dot_general3A_367 {dimension_numbers = #tpu.dot_dimension_numbers<[1], [1], [0], [0], [0, 0, 1, 0], [], []>, transpose_lhs_hint = false} : vector<1024x1024xf32>, vector<64x1024xf32>, vector<1024x64xf32> -> vector<1024x64xf32>
      %swap3A_369 = arith.constant 0 : index
      %swap3A_370 = arith.constant 0 : index
      %swap3A_371 = arith.constant 0 : index
      %swap3A_372 = vector.load %arg7[%swap3A_369, %swap3A_370, %swap3A_371] : memref<1x1024x64xf32, #tpu.memory_space<vmem>>, vector<1x1024x64xf32>
      %swap3A_373 = vector.shape_cast %swap3A_372 : vector<1x1024x64xf32> to vector<1024x64xf32>
      %swap3A_374 = vector.shape_cast %dot_general3A_368 : vector<1024x64xf32> to vector<1x1024x64xf32>
      tpu.vector_store %arg7[%swap3A_369, %swap3A_370, %swap3A_371], %swap3A_374 {strides = array<i32>} : memref<1x1024x64xf32, #tpu.memory_space<vmem>>, vector<1x1024x64xf32>,
    } else {
    }
    %dot_general3A = arith.constant dense<0.000000e+00> : vector<256x1024xf32>
    %dot_general3A_11 = tpu.matmul %get3A_8, %get3A_3, %dot_general3A {dimension_numbers = #tpu.dot_dimension_numbers<[0], [0], [1], [1], [0, 1, 1, 1], [], []>, transpose_lhs_hint = false} : vector<1024x256xf32>, vector<1024x1024xf32>, vector<256x1024xf32> -> vector<256x1024xf32>
    %mul3A = arith.mulf %get3A_3, %get3A_3 : vector<1024x1024xf32>
    %reduce_sum3A = arith.constant dense<0.000000e+00> : vector<1024xf32>
    %reduce_sum3A_12 = vector.multi_reduction <add>, %mul3A, %reduce_sum3A [0] : vector<1024x1024xf32> to vector<1024xf32>
    %broadcast_in_dim3A = vector.shape_cast %reduce_sum3A_12 : vector<1024xf32> to vector<1x1024xf32>
    %broadcast_in_dim3A_13 = arith.constant 1.000000e+00 : f32
    %broadcast_in_dim3A_14 = vector.broadcast %broadcast_in_dim3A_13 : f32 to vector<1024x1xf32>
    %mul3A_15 = arith.mulf %get3A_8, %get3A_8 : vector<1024x256xf32>
    %dot_general3A_16 = arith.constant dense<0.000000e+00> : vector<256x1xf32>
    %dot_general3A_17 = tpu.matmul %mul3A_15, %broadcast_in_dim3A_14, %dot_general3A_16 {dimension_numbers = #tpu.dot_dimension_numbers<[0], [0], [1], [1], [0, 1, 1, 1], [], []>, transpose_lhs_hint = false} : vector<1024x256xf32>, vector<1024x1xf32>, vector<256x1xf32> -> vector<256x1xf32>
    %add3A = vector.broadcast %dot_general3A_17 : vector<256x1xf32> to vector<256x1024xf32>
    %add3A_18 = vector.broadcast %broadcast_in_dim3A : vector<1x1024xf32> to vector<256x1024xf32>
    %add3A_19 = arith.addf %add3A, %add3A_18 : vector<256x1024xf32>
    %mul3A_20 = arith.constant 2.000000e+00 : f32
    %mul3A_21 = vector.broadcast %mul3A_20 : f32 to vector<256x1024xf32>
    %mul3A_22 = arith.mulf %mul3A_21, %dot_general3A_11 : vector<256x1024xf32>
    %sub3A = arith.subf %add3A_19, %mul3A_22 : vector<256x1024xf32>
    %iota3A = tpu.iota {dimensions = array<i32: 1>} : vector<256x1024xi32>
    %reduce_min3A = arith.constant dense<0x7F800000> : vector<256xf32>
    %reduce_min3A_23 = vector.multi_reduction <minimumf>, %sub3A, %reduce_min3A [1] : vector<256x1024xf32> to vector<256xf32>
    %broadcast_in_dim3A_24 = vector.shape_cast %reduce_min3A_23 : vector<256xf32> to vector<256x1xf32>
    %le3A = vector.broadcast %broadcast_in_dim3A_24 : vector<256x1xf32> to vector<256x1024xf32>
    %le3A_25 = arith.cmpf ole, %sub3A, %le3A : vector<256x1024xf32>
    %jit3A = arith.constant 1024 : i32
    %broadcast_in_dim3A_26 = vector.broadcast %jit3A : i32 to vector<256x1024xi32>
    %select_n3A = arith.select %le3A_25, %iota3A, %broadcast_in_dim3A_26 : vector<256x1024xi1>, vector<256x1024xi32>
    %reduce_min3A_27 = arith.constant dense<2147483647> : vector<256xi32>
    %reduce_min3A_28 = vector.multi_reduction <minsi>, %select_n3A, %reduce_min3A_27 [1] : vector<256x1024xi32> to vector<256xi32>
    %broadcast_in_dim3A_29 = vector.shape_cast %reduce_min3A_28 : vector<256xi32> to vector<256x1xi32>
    %eq3A_30 = vector.broadcast %broadcast_in_dim3A_29 : vector<256x1xi32> to vector<256x1024xi32>
    %eq3A_31 = arith.cmpi eq, %iota3A, %eq3A_30 : vector<256x1024xi32>
    %jit3A_32 = arith.constant 0x7F800000 : f32
    %broadcast_in_dim3A_33 = vector.broadcast %jit3A_32 : f32 to vector<256x1024xf32>
    %select_n3A_34 = arith.select %eq3A_31, %broadcast_in_dim3A_33, %sub3A : vector<256x1024xi1>, vector<256x1024xf32>
    %reduce_min3A_35 = arith.constant dense<0x7F800000> : vector<256xf32>
    %reduce_min3A_36 = vector.multi_reduction <minimumf>, %select_n3A_34, %reduce_min3A_35 [1] : vector<256x1024xf32> to vector<256xf32>
    %broadcast_in_dim3A_37 = vector.shape_cast %reduce_min3A_36 : vector<256xf32> to vector<256x1xf32>
    %le3A_38 = vector.broadcast %broadcast_in_dim3A_37 : vector<256x1xf32> to vector<256x1024xf32>
    %le3A_39 = arith.cmpf ole, %select_n3A_34, %le3A_38 : vector<256x1024xf32>
    %jit3A_40 = arith.constant 1024 : i32
    %broadcast_in_dim3A_41 = vector.broadcast %jit3A_40 : i32 to vector<256x1024xi32>
    %select_n3A_42 = arith.select %le3A_39, %iota3A, %broadcast_in_dim3A_41 : vector<256x1024xi1>, vector<256x1024xi32>
    %reduce_min3A_43 = arith.constant dense<2147483647> : vector<256xi32>
    %reduce_min3A_44 = vector.multi_reduction <minsi>, %select_n3A_42, %reduce_min3A_43 [1] : vector<256x1024xi32> to vector<256xi32>
    %broadcast_in_dim3A_45 = vector.shape_cast %reduce_min3A_44 : vector<256xi32> to vector<256x1xi32>
    %eq3A_46 = vector.broadcast %broadcast_in_dim3A_45 : vector<256x1xi32> to vector<256x1024xi32>
    %eq3A_47 = arith.cmpi eq, %iota3A, %eq3A_46 : vector<256x1024xi32>
    %jit3A_48 = arith.constant 0x7F800000 : f32
    %broadcast_in_dim3A_49 = vector.broadcast %jit3A_48 : f32 to vector<256x1024xf32>
    %select_n3A_50 = arith.select %eq3A_47, %broadcast_in_dim3A_49, %select_n3A_34 : vector<256x1024xi1>, vector<256x1024xf32>
    %reduce_min3A_51 = arith.constant dense<0x7F800000> : vector<256xf32>
    %reduce_min3A_52 = vector.multi_reduction <minimumf>, %select_n3A_50, %reduce_min3A_51 [1] : vector<256x1024xf32> to vector<256xf32>
    %broadcast_in_dim3A_53 = vector.shape_cast %reduce_min3A_52 : vector<256xf32> to vector<256x1xf32>
    %le3A_54 = vector.broadcast %broadcast_in_dim3A_53 : vector<256x1xf32> to vector<256x1024xf32>
    %le3A_55 = arith.cmpf ole, %select_n3A_50, %le3A_54 : vector<256x1024xf32>
    %jit3A_56 = arith.constant 1024 : i32
    %broadcast_in_dim3A_57 = vector.broadcast %jit3A_56 : i32 to vector<256x1024xi32>
    %select_n3A_58 = arith.select %le3A_55, %iota3A, %broadcast_in_dim3A_57 : vector<256x1024xi1>, vector<256x1024xi32>
    %reduce_min3A_59 = arith.constant dense<2147483647> : vector<256xi32>
    %reduce_min3A_60 = vector.multi_reduction <minsi>, %select_n3A_58, %reduce_min3A_59 [1] : vector<256x1024xi32> to vector<256xi32>
    %broadcast_in_dim3A_61 = vector.shape_cast %reduce_min3A_60 : vector<256xi32> to vector<256x1xi32>
    %eq3A_62 = vector.broadcast %broadcast_in_dim3A_61 : vector<256x1xi32> to vector<256x1024xi32>
    %eq3A_63 = arith.cmpi eq, %iota3A, %eq3A_62 : vector<256x1024xi32>
    %jit3A_64 = arith.constant 0x7F800000 : f32
    %broadcast_in_dim3A_65 = vector.broadcast %jit3A_64 : f32 to vector<256x1024xf32>
    %select_n3A_66 = arith.select %eq3A_63, %broadcast_in_dim3A_65, %select_n3A_50 : vector<256x1024xi1>, vector<256x1024xf32>
    %reduce_min3A_67 = arith.constant dense<0x7F800000> : vector<256xf32>
    %reduce_min3A_68 = vector.multi_reduction <minimumf>, %select_n3A_66, %reduce_min3A_67 [1] : vector<256x1024xf32> to vector<256xf32>
    %broadcast_in_dim3A_69 = vector.shape_cast %reduce_min3A_68 : vector<256xf32> to vector<256x1xf32>
    %le3A_70 = vector.broadcast %broadcast_in_dim3A_69 : vector<256x1xf32> to vector<256x1024xf32>
    %le3A_71 = arith.cmpf ole, %select_n3A_66, %le3A_70 : vector<256x1024xf32>
    %jit3A_72 = arith.constant 1024 : i32
    %broadcast_in_dim3A_73 = vector.broadcast %jit3A_72 : i32 to vector<256x1024xi32>
    %select_n3A_74 = arith.select %le3A_71, %iota3A, %broadcast_in_dim3A_73 : vector<256x1024xi1>, vector<256x1024xi32>
    %reduce_min3A_75 = arith.constant dense<2147483647> : vector<256xi32>
    %reduce_min3A_76 = vector.multi_reduction <minsi>, %select_n3A_74, %reduce_min3A_75 [1] : vector<256x1024xi32> to vector<256xi32>
    %broadcast_in_dim3A_77 = vector.shape_cast %reduce_min3A_76 : vector<256xi32> to vector<256x1xi32>
    %eq3A_78 = vector.broadcast %broadcast_in_dim3A_77 : vector<256x1xi32> to vector<256x1024xi32>
    %eq3A_79 = arith.cmpi eq, %iota3A, %eq3A_78 : vector<256x1024xi32>
    %jit3A_80 = arith.constant 0x7F800000 : f32
    %broadcast_in_dim3A_81 = vector.broadcast %jit3A_80 : f32 to vector<256x1024xf32>
    %select_n3A_82 = arith.select %eq3A_79, %broadcast_in_dim3A_81, %select_n3A_66 : vector<256x1024xi1>, vector<256x1024xf32>
    %reduce_min3A_83 = arith.constant dense<0x7F800000> : vector<256xf32>
    %reduce_min3A_84 = vector.multi_reduction <minimumf>, %select_n3A_82, %reduce_min3A_83 [1] : vector<256x1024xf32> to vector<256xf32>
    %broadcast_in_dim3A_85 = vector.shape_cast %reduce_min3A_84 : vector<256xf32> to vector<256x1xf32>
    %le3A_86 = vector.broadcast %broadcast_in_dim3A_85 : vector<256x1xf32> to vector<256x1024xf32>
    %le3A_87 = arith.cmpf ole, %select_n3A_82, %le3A_86 : vector<256x1024xf32>
    %jit3A_88 = arith.constant 1024 : i32
    %broadcast_in_dim3A_89 = vector.broadcast %jit3A_88 : i32 to vector<256x1024xi32>
    %select_n3A_90 = arith.select %le3A_87, %iota3A, %broadcast_in_dim3A_89 : vector<256x1024xi1>, vector<256x1024xi32>
    %reduce_min3A_91 = arith.constant dense<2147483647> : vector<256xi32>
    %reduce_min3A_92 = vector.multi_reduction <minsi>, %select_n3A_90, %reduce_min3A_91 [1] : vector<256x1024xi32> to vector<256xi32>
    %broadcast_in_dim3A_93 = vector.shape_cast %reduce_min3A_92 : vector<256xi32> to vector<256x1xi32>
    %eq3A_94 = vector.broadcast %broadcast_in_dim3A_93 : vector<256x1xi32> to vector<256x1024xi32>
    %eq3A_95 = arith.cmpi eq, %iota3A, %eq3A_94 : vector<256x1024xi32>
    %jit3A_96 = arith.constant 0x7F800000 : f32
    %broadcast_in_dim3A_97 = vector.broadcast %jit3A_96 : f32 to vector<256x1024xf32>
    %select_n3A_98 = arith.select %eq3A_95, %broadcast_in_dim3A_97, %select_n3A_82 : vector<256x1024xi1>, vector<256x1024xf32>
    %reduce_min3A_99 = arith.constant dense<0x7F800000> : vector<256xf32>
    %reduce_min3A_100 = vector.multi_reduction <minimumf>, %select_n3A_98, %reduce_min3A_99 [1] : vector<256x1024xf32> to vector<256xf32>
    %broadcast_in_dim3A_101 = vector.shape_cast %reduce_min3A_100 : vector<256xf32> to vector<256x1xf32>
    %le3A_102 = vector.broadcast %broadcast_in_dim3A_101 : vector<256x1xf32> to vector<256x1024xf32>
    %le3A_103 = arith.cmpf ole, %select_n3A_98, %le3A_102 : vector<256x1024xf32>
    %jit3A_104 = arith.constant 1024 : i32
    %broadcast_in_dim3A_105 = vector.broadcast %jit3A_104 : i32 to vector<256x1024xi32>
    %select_n3A_106 = arith.select %le3A_103, %iota3A, %broadcast_in_dim3A_105 : vector<256x1024xi1>, vector<256x1024xi32>
    %reduce_min3A_107 = arith.constant dense<2147483647> : vector<256xi32>
    %reduce_min3A_108 = vector.multi_reduction <minsi>, %select_n3A_106, %reduce_min3A_107 [1] : vector<256x1024xi32> to vector<256xi32>
    %broadcast_in_dim3A_109 = vector.shape_cast %reduce_min3A_108 : vector<256xi32> to vector<256x1xi32>
    %eq3A_110 = vector.broadcast %broadcast_in_dim3A_109 : vector<256x1xi32> to vector<256x1024xi32>
    %eq3A_111 = arith.cmpi eq, %iota3A, %eq3A_110 : vector<256x1024xi32>
    %jit3A_112 = arith.constant 0x7F800000 : f32
    %broadcast_in_dim3A_113 = vector.broadcast %jit3A_112 : f32 to vector<256x1024xf32>
    %select_n3A_114 = arith.select %eq3A_111, %broadcast_in_dim3A_113, %select_n3A_98 : vector<256x1024xi1>, vector<256x1024xf32>
    %reduce_min3A_115 = arith.constant dense<0x7F800000> : vector<256xf32>
    %reduce_min3A_116 = vector.multi_reduction <minimumf>, %select_n3A_114, %reduce_min3A_115 [1] : vector<256x1024xf32> to vector<256xf32>
    %broadcast_in_dim3A_117 = vector.shape_cast %reduce_min3A_116 : vector<256xf32> to vector<256x1xf32>
    %le3A_118 = vector.broadcast %broadcast_in_dim3A_117 : vector<256x1xf32> to vector<256x1024xf32>
    %le3A_119 = arith.cmpf ole, %select_n3A_114, %le3A_118 : vector<256x1024xf32>
    %jit3A_120 = arith.constant 1024 : i32
    %broadcast_in_dim3A_121 = vector.broadcast %jit3A_120 : i32 to vector<256x1024xi32>
    %select_n3A_122 = arith.select %le3A_119, %iota3A, %broadcast_in_dim3A_121 : vector<256x1024xi1>, vector<256x1024xi32>
    %reduce_min3A_123 = arith.constant dense<2147483647> : vector<256xi32>
    %reduce_min3A_124 = vector.multi_reduction <minsi>, %select_n3A_122, %reduce_min3A_123 [1] : vector<256x1024xi32> to vector<256xi32>
    %broadcast_in_dim3A_125 = vector.shape_cast %reduce_min3A_124 : vector<256xi32> to vector<256x1xi32>
    %eq3A_126 = vector.broadcast %broadcast_in_dim3A_125 : vector<256x1xi32> to vector<256x1024xi32>
    %eq3A_127 = arith.cmpi eq, %iota3A, %eq3A_126 : vector<256x1024xi32>
    %jit3A_128 = arith.constant 0x7F800000 : f32
    %broadcast_in_dim3A_129 = vector.broadcast %jit3A_128 : f32 to vector<256x1024xf32>
    %select_n3A_130 = arith.select %eq3A_127, %broadcast_in_dim3A_129, %select_n3A_114 : vector<256x1024xi1>, vector<256x1024xf32>
    %reduce_min3A_131 = arith.constant dense<0x7F800000> : vector<256xf32>
    %reduce_min3A_132 = vector.multi_reduction <minimumf>, %select_n3A_130, %reduce_min3A_131 [1] : vector<256x1024xf32> to vector<256xf32>
    %broadcast_in_dim3A_133 = vector.shape_cast %reduce_min3A_132 : vector<256xf32> to vector<256x1xf32>
    %le3A_134 = vector.broadcast %broadcast_in_dim3A_133 : vector<256x1xf32> to vector<256x1024xf32>
    %le3A_135 = arith.cmpf ole, %select_n3A_130, %le3A_134 : vector<256x1024xf32>
    %jit3A_136 = arith.constant 1024 : i32
    %broadcast_in_dim3A_137 = vector.broadcast %jit3A_136 : i32 to vector<256x1024xi32>
    %select_n3A_138 = arith.select %le3A_135, %iota3A, %broadcast_in_dim3A_137 : vector<256x1024xi1>, vector<256x1024xi32>
    %reduce_min3A_139 = arith.constant dense<2147483647> : vector<256xi32>
    %reduce_min3A_140 = vector.multi_reduction <minsi>, %select_n3A_138, %reduce_min3A_139 [1] : vector<256x1024xi32> to vector<256xi32>
    %broadcast_in_dim3A_141 = vector.shape_cast %reduce_min3A_140 : vector<256xi32> to vector<256x1xi32>
    %eq3A_142 = vector.broadcast %broadcast_in_dim3A_141 : vector<256x1xi32> to vector<256x1024xi32>
    %eq3A_143 = arith.cmpi eq, %iota3A, %eq3A_142 : vector<256x1024xi32>
    %jit3A_144 = arith.constant 0x7F800000 : f32
    %broadcast_in_dim3A_145 = vector.broadcast %jit3A_144 : f32 to vector<256x1024xf32>
    %select_n3A_146 = arith.select %eq3A_143, %broadcast_in_dim3A_145, %select_n3A_130 : vector<256x1024xi1>, vector<256x1024xf32>
    %reduce_min3A_147 = arith.constant dense<0x7F800000> : vector<256xf32>
    %reduce_min3A_148 = vector.multi_reduction <minimumf>, %select_n3A_146, %reduce_min3A_147 [1] : vector<256x1024xf32> to vector<256xf32>
    %broadcast_in_dim3A_149 = vector.shape_cast %reduce_min3A_148 : vector<256xf32> to vector<256x1xf32>
    %le3A_150 = vector.broadcast %broadcast_in_dim3A_149 : vector<256x1xf32> to vector<256x1024xf32>
    %le3A_151 = arith.cmpf ole, %select_n3A_146, %le3A_150 : vector<256x1024xf32>
    %jit3A_152 = arith.constant 1024 : i32
    %broadcast_in_dim3A_153 = vector.broadcast %jit3A_152 : i32 to vector<256x1024xi32>
    %select_n3A_154 = arith.select %le3A_151, %iota3A, %broadcast_in_dim3A_153 : vector<256x1024xi1>, vector<256x1024xi32>
    %reduce_min3A_155 = arith.constant dense<2147483647> : vector<256xi32>
    %reduce_min3A_156 = vector.multi_reduction <minsi>, %select_n3A_154, %reduce_min3A_155 [1] : vector<256x1024xi32> to vector<256xi32>
    %broadcast_in_dim3A_157 = vector.shape_cast %reduce_min3A_156 : vector<256xi32> to vector<256x1xi32>
    %eq3A_158 = vector.broadcast %broadcast_in_dim3A_157 : vector<256x1xi32> to vector<256x1024xi32>
    %eq3A_159 = arith.cmpi eq, %iota3A, %eq3A_158 : vector<256x1024xi32>
    %jit3A_160 = arith.constant 0x7F800000 : f32
    %broadcast_in_dim3A_161 = vector.broadcast %jit3A_160 : f32 to vector<256x1024xf32>
    %select_n3A_162 = arith.select %eq3A_159, %broadcast_in_dim3A_161, %select_n3A_146 : vector<256x1024xi1>, vector<256x1024xf32>
    %reduce_min3A_163 = arith.constant dense<0x7F800000> : vector<256xf32>
    %reduce_min3A_164 = vector.multi_reduction <minimumf>, %select_n3A_162, %reduce_min3A_163 [1] : vector<256x1024xf32> to vector<256xf32>
    %broadcast_in_dim3A_165 = vector.shape_cast %reduce_min3A_164 : vector<256xf32> to vector<256x1xf32>
    %le3A_166 = vector.broadcast %broadcast_in_dim3A_165 : vector<256x1xf32> to vector<256x1024xf32>
    %le3A_167 = arith.cmpf ole, %select_n3A_162, %le3A_166 : vector<256x1024xf32>
    %jit3A_168 = arith.constant 1024 : i32
    %broadcast_in_dim3A_169 = vector.broadcast %jit3A_168 : i32 to vector<256x1024xi32>
    %select_n3A_170 = arith.select %le3A_167, %iota3A, %broadcast_in_dim3A_169 : vector<256x1024xi1>, vector<256x1024xi32>
    %reduce_min3A_171 = arith.constant dense<2147483647> : vector<256xi32>
    %reduce_min3A_172 = vector.multi_reduction <minsi>, %select_n3A_170, %reduce_min3A_171 [1] : vector<256x1024xi32> to vector<256xi32>
    %broadcast_in_dim3A_173 = vector.shape_cast %reduce_min3A_172 : vector<256xi32> to vector<256x1xi32>
    %eq3A_174 = vector.broadcast %broadcast_in_dim3A_173 : vector<256x1xi32> to vector<256x1024xi32>
    %eq3A_175 = arith.cmpi eq, %iota3A, %eq3A_174 : vector<256x1024xi32>
    %jit3A_176 = arith.constant 0x7F800000 : f32
    %broadcast_in_dim3A_177 = vector.broadcast %jit3A_176 : f32 to vector<256x1024xf32>
    %select_n3A_178 = arith.select %eq3A_175, %broadcast_in_dim3A_177, %select_n3A_162 : vector<256x1024xi1>, vector<256x1024xf32>
    %reduce_min3A_179 = arith.constant dense<0x7F800000> : vector<256xf32>
    %reduce_min3A_180 = vector.multi_reduction <minimumf>, %select_n3A_178, %reduce_min3A_179 [1] : vector<256x1024xf32> to vector<256xf32>
    %broadcast_in_dim3A_181 = vector.shape_cast %reduce_min3A_180 : vector<256xf32> to vector<256x1xf32>
    %le3A_182 = vector.broadcast %broadcast_in_dim3A_181 : vector<256x1xf32> to vector<256x1024xf32>
    %le3A_183 = arith.cmpf ole, %select_n3A_178, %le3A_182 : vector<256x1024xf32>
    %jit3A_184 = arith.constant 1024 : i32
    %broadcast_in_dim3A_185 = vector.broadcast %jit3A_184 : i32 to vector<256x1024xi32>
    %select_n3A_186 = arith.select %le3A_183, %iota3A, %broadcast_in_dim3A_185 : vector<256x1024xi1>, vector<256x1024xi32>
    %reduce_min3A_187 = arith.constant dense<2147483647> : vector<256xi32>
    %reduce_min3A_188 = vector.multi_reduction <minsi>, %select_n3A_186, %reduce_min3A_187 [1] : vector<256x1024xi32> to vector<256xi32>
    %broadcast_in_dim3A_189 = vector.shape_cast %reduce_min3A_188 : vector<256xi32> to vector<256x1xi32>
    %eq3A_190 = vector.broadcast %broadcast_in_dim3A_189 : vector<256x1xi32> to vector<256x1024xi32>
    %eq3A_191 = arith.cmpi eq, %iota3A, %eq3A_190 : vector<256x1024xi32>
    %jit3A_192 = arith.constant 0x7F800000 : f32
    %broadcast_in_dim3A_193 = vector.broadcast %jit3A_192 : f32 to vector<256x1024xf32>
    %select_n3A_194 = arith.select %eq3A_191, %broadcast_in_dim3A_193, %select_n3A_178 : vector<256x1024xi1>, vector<256x1024xf32>
    %reduce_min3A_195 = arith.constant dense<0x7F800000> : vector<256xf32>
    %reduce_min3A_196 = vector.multi_reduction <minimumf>, %select_n3A_194, %reduce_min3A_195 [1] : vector<256x1024xf32> to vector<256xf32>
    %broadcast_in_dim3A_197 = vector.shape_cast %reduce_min3A_196 : vector<256xf32> to vector<256x1xf32>
    %le3A_198 = vector.broadcast %broadcast_in_dim3A_197 : vector<256x1xf32> to vector<256x1024xf32>
    %le3A_199 = arith.cmpf ole, %select_n3A_194, %le3A_198 : vector<256x1024xf32>
    %jit3A_200 = arith.constant 1024 : i32
    %broadcast_in_dim3A_201 = vector.broadcast %jit3A_200 : i32 to vector<256x1024xi32>
    %select_n3A_202 = arith.select %le3A_199, %iota3A, %broadcast_in_dim3A_201 : vector<256x1024xi1>, vector<256x1024xi32>
    %reduce_min3A_203 = arith.constant dense<2147483647> : vector<256xi32>
    %reduce_min3A_204 = vector.multi_reduction <minsi>, %select_n3A_202, %reduce_min3A_203 [1] : vector<256x1024xi32> to vector<256xi32>
    %broadcast_in_dim3A_205 = vector.shape_cast %reduce_min3A_204 : vector<256xi32> to vector<256x1xi32>
    %eq3A_206 = vector.broadcast %broadcast_in_dim3A_205 : vector<256x1xi32> to vector<256x1024xi32>
    %eq3A_207 = arith.cmpi eq, %iota3A, %eq3A_206 : vector<256x1024xi32>
    %jit3A_208 = arith.constant 0x7F800000 : f32
    %broadcast_in_dim3A_209 = vector.broadcast %jit3A_208 : f32 to vector<256x1024xf32>
    %select_n3A_210 = arith.select %eq3A_207, %broadcast_in_dim3A_209, %select_n3A_194 : vector<256x1024xi1>, vector<256x1024xf32>
    %reduce_min3A_211 = arith.constant dense<0x7F800000> : vector<256xf32>
    %reduce_min3A_212 = vector.multi_reduction <minimumf>, %select_n3A_210, %reduce_min3A_211 [1] : vector<256x1024xf32> to vector<256xf32>
    %broadcast_in_dim3A_213 = vector.shape_cast %reduce_min3A_212 : vector<256xf32> to vector<256x1xf32>
    %le3A_214 = vector.broadcast %broadcast_in_dim3A_213 : vector<256x1xf32> to vector<256x1024xf32>
    %le3A_215 = arith.cmpf ole, %select_n3A_210, %le3A_214 : vector<256x1024xf32>
    %jit3A_216 = arith.constant 1024 : i32
    %broadcast_in_dim3A_217 = vector.broadcast %jit3A_216 : i32 to vector<256x1024xi32>
    %select_n3A_218 = arith.select %le3A_215, %iota3A, %broadcast_in_dim3A_217 : vector<256x1024xi1>, vector<256x1024xi32>
    %reduce_min3A_219 = arith.constant dense<2147483647> : vector<256xi32>
    %reduce_min3A_220 = vector.multi_reduction <minsi>, %select_n3A_218, %reduce_min3A_219 [1] : vector<256x1024xi32> to vector<256xi32>
    %broadcast_in_dim3A_221 = vector.shape_cast %reduce_min3A_220 : vector<256xi32> to vector<256x1xi32>
    %eq3A_222 = vector.broadcast %broadcast_in_dim3A_221 : vector<256x1xi32> to vector<256x1024xi32>
    %eq3A_223 = arith.cmpi eq, %iota3A, %eq3A_222 : vector<256x1024xi32>
    %jit3A_224 = arith.constant 0x7F800000 : f32
    %broadcast_in_dim3A_225 = vector.broadcast %jit3A_224 : f32 to vector<256x1024xf32>
    %select_n3A_226 = arith.select %eq3A_223, %broadcast_in_dim3A_225, %select_n3A_210 : vector<256x1024xi1>, vector<256x1024xf32>
    %reduce_min3A_227 = arith.constant dense<0x7F800000> : vector<256xf32>
    %reduce_min3A_228 = vector.multi_reduction <minimumf>, %select_n3A_226, %reduce_min3A_227 [1] : vector<256x1024xf32> to vector<256xf32>
    %broadcast_in_dim3A_229 = vector.shape_cast %reduce_min3A_228 : vector<256xf32> to vector<256x1xf32>
    %le3A_230 = vector.broadcast %broadcast_in_dim3A_229 : vector<256x1xf32> to vector<256x1024xf32>
    %le3A_231 = arith.cmpf ole, %select_n3A_226, %le3A_230 : vector<256x1024xf32>
    %jit3A_232 = arith.constant 1024 : i32
    %broadcast_in_dim3A_233 = vector.broadcast %jit3A_232 : i32 to vector<256x1024xi32>
    %select_n3A_234 = arith.select %le3A_231, %iota3A, %broadcast_in_dim3A_233 : vector<256x1024xi1>, vector<256x1024xi32>
    %reduce_min3A_235 = arith.constant dense<2147483647> : vector<256xi32>
    %reduce_min3A_236 = vector.multi_reduction <minsi>, %select_n3A_234, %reduce_min3A_235 [1] : vector<256x1024xi32> to vector<256xi32>
    %broadcast_in_dim3A_237 = vector.shape_cast %reduce_min3A_236 : vector<256xi32> to vector<256x1xi32>
    %eq3A_238 = vector.broadcast %broadcast_in_dim3A_237 : vector<256x1xi32> to vector<256x1024xi32>
    %eq3A_239 = arith.cmpi eq, %iota3A, %eq3A_238 : vector<256x1024xi32>
    %jit3A_240 = arith.constant 0x7F800000 : f32
    %broadcast_in_dim3A_241 = vector.broadcast %jit3A_240 : f32 to vector<256x1024xf32>
    %select_n3A_242 = arith.select %eq3A_239, %broadcast_in_dim3A_241, %select_n3A_226 : vector<256x1024xi1>, vector<256x1024xf32>
    %reduce_min3A_243 = arith.constant dense<0x7F800000> : vector<256xf32>
    %reduce_min3A_244 = vector.multi_reduction <minimumf>, %select_n3A_242, %reduce_min3A_243 [1] : vector<256x1024xf32> to vector<256xf32>
    %broadcast_in_dim3A_245 = vector.shape_cast %reduce_min3A_244 : vector<256xf32> to vector<256x1xf32>
    %le3A_246 = vector.broadcast %broadcast_in_dim3A_245 : vector<256x1xf32> to vector<256x1024xf32>
    %le3A_247 = arith.cmpf ole, %select_n3A_242, %le3A_246 : vector<256x1024xf32>
    %jit3A_248 = arith.constant 1024 : i32
    %broadcast_in_dim3A_249 = vector.broadcast %jit3A_248 : i32 to vector<256x1024xi32>
    %select_n3A_250 = arith.select %le3A_247, %iota3A, %broadcast_in_dim3A_249 : vector<256x1024xi1>, vector<256x1024xi32>
    %reduce_min3A_251 = arith.constant dense<2147483647> : vector<256xi32>
    %reduce_min3A_252 = vector.multi_reduction <minsi>, %select_n3A_250, %reduce_min3A_251 [1] : vector<256x1024xi32> to vector<256xi32>
    %broadcast_in_dim3A_253 = vector.shape_cast %reduce_min3A_252 : vector<256xi32> to vector<256x1xi32>
    %eq3A_254 = vector.broadcast %broadcast_in_dim3A_253 : vector<256x1xi32> to vector<256x1024xi32>
    %eq3A_255 = arith.cmpi eq, %iota3A, %eq3A_254 : vector<256x1024xi32>
    %jit3A_256 = arith.constant 0x7F800000 : f32
    %broadcast_in_dim3A_257 = vector.broadcast %jit3A_256 : f32 to vector<256x1024xf32>
    %select_n3A_258 = arith.select %eq3A_255, %broadcast_in_dim3A_257, %select_n3A_242 : vector<256x1024xi1>, vector<256x1024xf32>
    %reduce_min3A_259 = arith.constant dense<0x7F800000> : vector<256xf32>
    %reduce_min3A_260 = vector.multi_reduction <minimumf>, %select_n3A_258, %reduce_min3A_259 [1] : vector<256x1024xf32> to vector<256xf32>
    %broadcast_in_dim3A_261 = vector.shape_cast %reduce_min3A_260 : vector<256xf32> to vector<256x1xf32>
    %le3A_262 = vector.broadcast %broadcast_in_dim3A_261 : vector<256x1xf32> to vector<256x1024xf32>
    %le3A_263 = arith.cmpf ole, %select_n3A_258, %le3A_262 : vector<256x1024xf32>
    %jit3A_264 = arith.constant 1024 : i32
    %broadcast_in_dim3A_265 = vector.broadcast %jit3A_264 : i32 to vector<256x1024xi32>
    %select_n3A_266 = arith.select %le3A_263, %iota3A, %broadcast_in_dim3A_265 : vector<256x1024xi1>, vector<256x1024xi32>
    %reduce_min3A_267 = arith.constant dense<2147483647> : vector<256xi32>
    %reduce_min3A_268 = vector.multi_reduction <minsi>, %select_n3A_266, %reduce_min3A_267 [1] : vector<256x1024xi32> to vector<256xi32>
    %broadcast_in_dim3A_269 = vector.shape_cast %reduce_min3A_268 : vector<256xi32> to vector<256x1xi32>
    %eq3A_270 = vector.broadcast %broadcast_in_dim3A_269 : vector<256x1xi32> to vector<256x1024xi32>
    %eq3A_271 = arith.cmpi eq, %iota3A, %eq3A_270 : vector<256x1024xi32>
    %jit3A_272 = arith.constant 0x7F800000 : f32
    %broadcast_in_dim3A_273 = vector.broadcast %jit3A_272 : f32 to vector<256x1024xf32>
    %select_n3A_274 = arith.select %eq3A_271, %broadcast_in_dim3A_273, %select_n3A_258 : vector<256x1024xi1>, vector<256x1024xf32>
    %reduce_min3A_275 = arith.constant dense<0x7F800000> : vector<256xf32>
    %reduce_min3A_276 = vector.multi_reduction <minimumf>, %select_n3A_274, %reduce_min3A_275 [1] : vector<256x1024xf32> to vector<256xf32>
    %broadcast_in_dim3A_277 = vector.shape_cast %reduce_min3A_276 : vector<256xf32> to vector<256x1xf32>
    %le3A_278 = vector.broadcast %broadcast_in_dim3A_277 : vector<256x1xf32> to vector<256x1024xf32>
    %le3A_279 = arith.cmpf ole, %select_n3A_274, %le3A_278 : vector<256x1024xf32>
    %jit3A_280 = arith.constant 1024 : i32
    %broadcast_in_dim3A_281 = vector.broadcast %jit3A_280 : i32 to vector<256x1024xi32>
    %select_n3A_282 = arith.select %le3A_279, %iota3A, %broadcast_in_dim3A_281 : vector<256x1024xi1>, vector<256x1024xi32>
    %reduce_min3A_283 = arith.constant dense<2147483647> : vector<256xi32>
    %reduce_min3A_284 = vector.multi_reduction <minsi>, %select_n3A_282, %reduce_min3A_283 [1] : vector<256x1024xi32> to vector<256xi32>
    %broadcast_in_dim3A_285 = vector.shape_cast %reduce_min3A_284 : vector<256xi32> to vector<256x1xi32>
    %eq3A_286 = vector.broadcast %broadcast_in_dim3A_285 : vector<256x1xi32> to vector<256x1024xi32>
    %eq3A_287 = arith.cmpi eq, %iota3A, %eq3A_286 : vector<256x1024xi32>
    %jit3A_288 = arith.constant 0x7F800000 : f32
    %broadcast_in_dim3A_289 = vector.broadcast %jit3A_288 : f32 to vector<256x1024xf32>
    %select_n3A_290 = arith.select %eq3A_287, %broadcast_in_dim3A_289, %select_n3A_274 : vector<256x1024xi1>, vector<256x1024xf32>
    %reduce_min3A_291 = arith.constant dense<0x7F800000> : vector<256xf32>
    %reduce_min3A_292 = vector.multi_reduction <minimumf>, %select_n3A_290, %reduce_min3A_291 [1] : vector<256x1024xf32> to vector<256xf32>
    %broadcast_in_dim3A_293 = vector.shape_cast %reduce_min3A_292 : vector<256xf32> to vector<256x1xf32>
    %le3A_294 = vector.broadcast %broadcast_in_dim3A_293 : vector<256x1xf32> to vector<256x1024xf32>
    %le3A_295 = arith.cmpf ole, %select_n3A_290, %le3A_294 : vector<256x1024xf32>
    %jit3A_296 = arith.constant 1024 : i32
    %broadcast_in_dim3A_297 = vector.broadcast %jit3A_296 : i32 to vector<256x1024xi32>
    %select_n3A_298 = arith.select %le3A_295, %iota3A, %broadcast_in_dim3A_297 : vector<256x1024xi1>, vector<256x1024xi32>
    %reduce_min3A_299 = arith.constant dense<2147483647> : vector<256xi32>
    %reduce_min3A_300 = vector.multi_reduction <minsi>, %select_n3A_298, %reduce_min3A_299 [1] : vector<256x1024xi32> to vector<256xi32>
    %broadcast_in_dim3A_301 = vector.shape_cast %reduce_min3A_300 : vector<256xi32> to vector<256x1xi32>
    %eq3A_302 = vector.broadcast %broadcast_in_dim3A_301 : vector<256x1xi32> to vector<256x1024xi32>
    %eq3A_303 = arith.cmpi eq, %iota3A, %eq3A_302 : vector<256x1024xi32>
    %jit3A_304 = arith.constant 0x7F800000 : f32
    %broadcast_in_dim3A_305 = vector.broadcast %jit3A_304 : f32 to vector<256x1024xf32>
    %select_n3A_306 = arith.select %eq3A_303, %broadcast_in_dim3A_305, %select_n3A_290 : vector<256x1024xi1>, vector<256x1024xf32>
    %reduce_min3A_307 = arith.constant dense<0x7F800000> : vector<256xf32>
    %reduce_min3A_308 = vector.multi_reduction <minimumf>, %select_n3A_306, %reduce_min3A_307 [1] : vector<256x1024xf32> to vector<256xf32>
    %broadcast_in_dim3A_309 = vector.shape_cast %reduce_min3A_308 : vector<256xf32> to vector<256x1xf32>
    %le3A_310 = vector.broadcast %broadcast_in_dim3A_309 : vector<256x1xf32> to vector<256x1024xf32>
    %le3A_311 = arith.cmpf ole, %select_n3A_306, %le3A_310 : vector<256x1024xf32>
    %jit3A_312 = arith.constant 1024 : i32
    %broadcast_in_dim3A_313 = vector.broadcast %jit3A_312 : i32 to vector<256x1024xi32>
    %select_n3A_314 = arith.select %le3A_311, %iota3A, %broadcast_in_dim3A_313 : vector<256x1024xi1>, vector<256x1024xi32>
    %reduce_min3A_315 = arith.constant dense<2147483647> : vector<256xi32>
    %reduce_min3A_316 = vector.multi_reduction <minsi>, %select_n3A_314, %reduce_min3A_315 [1] : vector<256x1024xi32> to vector<256xi32>
    %broadcast_in_dim3A_317 = vector.shape_cast %reduce_min3A_316 : vector<256xi32> to vector<256x1xi32>
    %eq3A_318 = vector.broadcast %broadcast_in_dim3A_317 : vector<256x1xi32> to vector<256x1024xi32>
    %eq3A_319 = arith.cmpi eq, %iota3A, %eq3A_318 : vector<256x1024xi32>
    %jit3A_320 = arith.constant 0x7F800000 : f32
    %broadcast_in_dim3A_321 = vector.broadcast %jit3A_320 : f32 to vector<256x1024xf32>
    %select_n3A_322 = arith.select %eq3A_319, %broadcast_in_dim3A_321, %select_n3A_306 : vector<256x1024xi1>, vector<256x1024xf32>
    %reduce_min3A_323 = arith.constant dense<0x7F800000> : vector<256xf32>
    %reduce_min3A_324 = vector.multi_reduction <minimumf>, %select_n3A_322, %reduce_min3A_323 [1] : vector<256x1024xf32> to vector<256xf32>
    %broadcast_in_dim3A_325 = vector.shape_cast %reduce_min3A_324 : vector<256xf32> to vector<256x1xf32>
    %le3A_326 = vector.broadcast %broadcast_in_dim3A_325 : vector<256x1xf32> to vector<256x1024xf32>
    %le3A_327 = arith.cmpf ole, %select_n3A_322, %le3A_326 : vector<256x1024xf32>
    %jit3A_328 = arith.constant 1024 : i32
    %broadcast_in_dim3A_329 = vector.broadcast %jit3A_328 : i32 to vector<256x1024xi32>
    %select_n3A_330 = arith.select %le3A_327, %iota3A, %broadcast_in_dim3A_329 : vector<256x1024xi1>, vector<256x1024xi32>
    %reduce_min3A_331 = arith.constant dense<2147483647> : vector<256xi32>
    %reduce_min3A_332 = vector.multi_reduction <minsi>, %select_n3A_330, %reduce_min3A_331 [1] : vector<256x1024xi32> to vector<256xi32>
    %broadcast_in_dim3A_333 = vector.shape_cast %reduce_min3A_332 : vector<256xi32> to vector<256x1xi32>
    %concatenate3A = tpu.concatenate %broadcast_in_dim3A_29, %broadcast_in_dim3A_45, %broadcast_in_dim3A_61, %broadcast_in_dim3A_77, %broadcast_in_dim3A_93, %broadcast_in_dim3A_109, %broadcast_in_dim3A_125, %broadcast_in_dim3A_141, %broadcast_in_dim3A_157, %broadcast_in_dim3A_173, %broadcast_in_dim3A_189, %broadcast_in_dim3A_205, %broadcast_in_dim3A_221, %broadcast_in_dim3A_237, %broadcast_in_dim3A_253, %broadcast_in_dim3A_269, %broadcast_in_dim3A_285, %broadcast_in_dim3A_301, %broadcast_in_dim3A_317, %broadcast_in_dim3A_333 in 1 : vector<256x1xi32>, vector<256x1xi32>, vector<256x1xi32>, vector<256x1xi32>, vector<256x1xi32>, vector<256x1xi32>, vector<256x1xi32>, vector<256x1xi32>, vector<256x1xi32>, vector<256x1xi32>, vector<256x1xi32>, vector<256x1xi32>, vector<256x1xi32>, vector<256x1xi32>, vector<256x1xi32>, vector<256x1xi32>, vector<256x1xi32>, vector<256x1xi32>, vector<256x1xi32>, vector<256x1xi32> -> vector<256x20xi32>
    %convert_element_type3A_334 = arith.sitofp %concatenate3A : vector<256x20xi32> to vector<256x20xf32>
    %iota3A_335 = tpu.iota {dimensions = array<i32: 0>} : vector<20x20xi32>
    %iota3A_336 = tpu.iota {dimensions = array<i32: 1>} : vector<20x20xi32>
    %eq3A_337 = arith.cmpi eq, %iota3A_335, %iota3A_336 : vector<20x20xi32>
    %convert_element_type3A_338 = arith.extui %eq3A_337 : vector<20x20xi1> to vector<20x20xi32>
    %convert_element_type3A_339 = arith.sitofp %convert_element_type3A_338 : vector<20x20xi32> to vector<20x20xf32>
    %dot_general3A_340 = arith.constant dense<0.000000e+00> : vector<20x256xf32>
    %dot_general3A_341 = tpu.matmul %convert_element_type3A_339, %convert_element_type3A_334, %dot_general3A_340 {dimension_numbers = #tpu.dot_dimension_numbers<[1], [1], [0], [0], [0, 0, 1, 0], [], []>, precision = #tpu.contract_precision<fp32>, transpose_lhs_hint = false} : vector<20x20xf32>, vector<256x20xf32>, vector<20x256xf32> -> vector<20x256xf32>
    %convert_element_type3A_342 = arith.fptosi %dot_general3A_341 : vector<20x256xf32> to vector<20x256xi32>
    %mul3A_343 = arith.constant 1024 : i32
    %mul3A_344 = arith.muli %arg0, %mul3A_343 : i32
    %add3A_345 = vector.broadcast %mul3A_344 : i32 to vector<20x256xi32>
    %add3A_346 = arith.addi %convert_element_type3A_342, %add3A_345 : vector<20x256xi32>
    %swap3A = arith.constant 0 : index
    %swap3A_347 = arith.constant 0 : index
    %swap3A_348 = arith.constant 0 : index
    %swap3A_349 = vector.load %arg5[%swap3A, %swap3A_347, %swap3A_348] : memref<1x20x256xi32, #tpu.memory_space<vmem>>, vector<1x20x256xi32>
    %swap3A_350 = vector.shape_cast %swap3A_349 : vector<1x20x256xi32> to vector<20x256xi32>
    %swap3A_351 = vector.shape_cast %add3A_346 : vector<20x256xi32> to vector<1x20x256xi32>
    tpu.vector_store %arg5[%swap3A, %swap3A_347, %swap3A_348], %swap3A_351 {strides = array<i32>} : memref<1x20x256xi32, #tpu.memory_space<vmem>>, vector<1x20x256xi32>,
    return
  }
  func.func @transform_0(%arg0: i32, %arg1: i32) -> (i32, i32, i32) {
    %c0_i32 = arith.constant 0 : i32
    %c0_i32_0 = arith.constant 0 : i32
    %c0_i32_1 = arith.constant 0 : i32
    return %arg0, %c0_i32, %c0_i32_0 : i32, i32, i32
  }
  func.func @transform_1(%arg0: i32, %arg1: i32) -> (i32, i32, i32) {
    %c0_i32 = arith.constant 0 : i32
    %c0_i32_0 = arith.constant 0 : i32
    return %arg0, %c0_i32, %arg1 : i32, i32, i32
  }
  func.func @transform_2(%arg0: i32, %arg1: i32) -> (i32, i32) {
    %c0_i32 = arith.constant 0 : i32
    %c0_i32_0 = arith.constant 0 : i32
    %c0_i32_1 = arith.constant 0 : i32
    return %c0_i32, %c0_i32_0 : i32, i32
  }
  func.func @transform_3(%arg0: i32, %arg1: i32) -> (i32, i32, i32) {
    %c0_i32 = arith.constant 0 : i32
    %c0_i32_0 = arith.constant 0 : i32
    return %arg0, %c0_i32, %arg1 : i32, i32, i32
  }
  func.func @transform_4(%arg0: i32, %arg1: i32) -> (i32, i32, i32) {
    %c0_i32 = arith.constant 0 : i32
    %c0_i32_0 = arith.constant 0 : i32
    %c0_i32_1 = arith.constant 0 : i32
    return %arg0, %c0_i32, %c0_i32_0 : i32, i32, i32
  }
  func.func @transform_5(%arg0: i32, %arg1: i32) -> (i32, i32, i32) {
    %c0_i32 = arith.constant 0 : i32
    %c0_i32_0 = arith.constant 0 : i32
    %c0_i32_1 = arith.constant 0 : i32
    return %arg0, %c0_i32, %c0_i32_0 : i32, i32, i32
  }
}

</mosaic_0001>

<sc_bundles>
// kernel: kernel.5.cloned.1.call-start
scs
__scs_entry_jumppad:
0x0: {  	(pc) =	sbr.rel $0x88, $3  }
0x1: {  	(tag) =	ssettag $0x0;
	lr =	simm.s32 $0x1  }
0x2: {  	[smem:$0x3F9D] =	sst lr;
	_ =	strace $0xD0000000  }
0x3: {  	_ = 	snop  }
0x4: {  	_ = 	snop  }
0x5: {  	_ = 	snop  }
0x6: {  	_ = 	snop  }
0x7: {  	_ = 	snop  }
__scs_overlays_trampoline_lowered:
0x8: {  	[smem:$0x3FAC] =	sst s0  }
0x9: {  	[smem:$0x3FAD] =	sst s1  }
0xa: {  	[smem:$0x3FAE] =	sst s2  }
0xb: {  	[smem:$0x3FAF] =	sst s3  }
0xc: {  	[smem:$0x3FB0] =	sst s4  }
0xd: {  	[smem:$0x3FB1] =	sst s5  }
0xe: {  	[smem:$0x3FB2] =	sst s6  }
0xf: {  	[smem:$0x3FB3] =	sst s7  }
0x10: {  	[smem:$0x3FB4] =	sst s8  }
0x11: {  	[smem:$0x3FB5] =	sst s9;
	s0 =	simm.s32 @!p0 $0x0  }
0x12: {  	s1 =	sld [smem:$0x3F9B];
	s0 =	simm.s32 @p0 $0x1  }
0x13: {  	[smem:$0x3FB6] =	sst s0;
	s0 =	simm.s32 @!p1 $0x0  }
0x14: {  	s2 =	sld [smem:$0x3F9A];
	s0 =	simm.s32 @p1 $0x1  }
0x15: {  	[smem:$0x3FB7] =	sst s0;
	s0 =	simm.s32 @!p2 $0x0  }
0x16: {  	s3 =	sld [smem:$0x3FDB];
	s0 =	simm.s32 @p2 $0x1  }
0x17: {  	s4 =	simm.s32 $0x1BF5;
	[smem:$0x3FB9] =	sst s0  }
0x18: {  	s0 =	sld [smem:$0x3F9C];
	_ =	swait.ge [sflag:s4], $0x0  }
0x19: {  	s7 =	sld [smem:$0x3F9D]  }
0x1a: {  	s8 =	sadd.s32 $0xFFFFE003, lr  }
0x1b: {  	s9 =	sadd.s32 $0xFFFFFEF7, lr;
	s5 =	simm.s32 $0xFFFFFFFF;
	p2 =	slt.u32 s8, $0xFFFFF086  }
0x1c: {  	p1 =	slt.u32 s9, $0xF7A;
	s5 =	simm.s32 @!p2 $0x0  }
0x1d: {  	s5 =	simm.s32 @p1 $0x1;
	p0 =	seq.s32 s7, s2  }
0x1e: {  	s7 =	smul.u32 @!p0 $0xF7A, s2;
	p2 =	seq.s32 @!p0 s5, $0x0  }
0x1f: {  	s9 =	smul.u32 $0xF7A, s1;
	s8 =	simm.s32 @!p0 $0x1BF5;
	p2 =	por !p2, p0  }
0x20: {  	[sflag:s8] =	ssyncset.s32 @!p0 $0xFFFFF086;
	s6 =	sadd.s32 @!p0 s3, s7;
	s7 =	simm.s32 @!p0 $0x108  }
0x21: {  	s3 =	sadd.s32 s3, s9;
	s6 =	sadd.s32 @!p0 $0x88, s6;
	s7 =	simm.s32 @p2 $0x1082  }
0x22: {  	[simem:s7], [sflag:s8] =	dma.local @!p0 [hbm:s6], $0xF7A  }
0x23: {  	s9 =	sor.u32 $0xD0000000, s2;
	s6 =	simm.s32 $0x108;
	_ =	swait.ge @!p0 [sflag:s8], $0x0  }
0x24: {  	s3 =	sadd.s32 $0x88, s3;
	s6 =	simm.s32 @!p1 $0x1082;
	[sflag:s4] =	ssyncset.s32 $0xFFFFF086  }
0x25: {  	[simem:s6], [sflag:s4] =	dma.local [hbm:s3], $0xF7A  }
0x26: {  	[smem:$0x3F9D] =	sst s1;
	(tag) =	ssettag s2;
	_ =	strace s9  }
0x27: {  	s1 =	sld [smem:$0x3FAD]  }
0x28: {  	s2 =	sld [smem:$0x3FAE]  }
0x29: {  	s4 =	sld [smem:$0x3FB0]  }
0x2a: {  	p0 =	seq.s32 s5, $0x0;
	s5 =	sld [smem:$0x3FB1]  }
0x2b: {  	s6 =	sld [smem:$0x3FB2]  }
0x2c: {  	s7 =	sld [smem:$0x3FB3]  }
0x2d: {  	s3 =	simm.s32 $0x108;
	s8 =	sld [smem:$0x3FB4]  }
0x2e: {  	s3 =	simm.s32 @!p0 $0x1082;
	s9 =	sld [smem:$0x3FB5]  }
0x2f: {  	lr =	sadd.s32 s0, s3;
	s0 =	sld [smem:$0x3FAC]  }
0x30: {  	s3 =	sld [smem:$0x3FAF]  }
0x31: {  	[smem:$0x3FB8] =	sst s10  }
0x32: {  	s10 =	sld [smem:$0x3FB6];
	_ =	sdelay $0x3  }
0x33: {  	p0 =	seq.s32 s10, $0x1;
	s10 =	sld [smem:$0x3FB8];
	_ =	sdelay $0x3  }
0x34: {  	[smem:$0x3FB8] =	sst s10  }
0x35: {  	s10 =	sld [smem:$0x3FB7];
	_ =	sdelay $0x3  }
0x36: {  	p1 =	seq.s32 s10, $0x1;
	s10 =	sld [smem:$0x3FB8];
	_ =	sdelay $0x3  }
0x37: {  	[smem:$0x3FB8] =	sst s10  }
0x38: {  	s10 =	sld [smem:$0x3FB9]  }
0x39: {  	_ = 	snop;
	(pc) =	sbr.ind lr, $3  }
0x3a: {  	_ = 	snop  }
0x3b: {  	_ = 	snop  }
0x3c: {  	p2 =	seq.s32 s10, $0x1;
	s10 =	sld [smem:$0x3FB8]  }
0x3d: {  	_ =	shalt  }
0x3e: {  	_ =	shalt  }
0x3f: {  	_ =	shalt  }
0x40: {  	_ =	shalt  }
0x41: {  	_ =	shalt  }
0x42: {  	_ =	shalt  }
0x43: {  	_ =	shalt  }
0x44: {  	_ =	shalt  }
0x45: {  	_ =	shalt  }
0x46: {  	_ =	shalt  }
0x47: {  	_ =	shalt  }
0x48: {  	_ =	shalt  }
0x49: {  	_ =	shalt  }
0x4a: {  	_ =	shalt  }
0x4b: {  	_ =	shalt  }
0x4c: {  	_ =	shalt  }
0x4d: {  	_ =	shalt  }
0x4e: {  	_ =	shalt  }
0x4f: {  	_ =	shalt  }
0x50: {  	_ =	shalt  }
0x51: {  	_ =	shalt  }
0x52: {  	_ =	shalt  }
0x53: {  	_ =	shalt  }
0x54: {  	_ =	shalt  }
0x55: {  	_ =	shalt  }
0x56: {  	_ =	shalt  }
0x57: {  	_ =	shalt  }
0x58: {  	_ =	shalt  }
0x59: {  	_ =	shalt  }
0x5a: {  	_ =	shalt  }
0x5b: {  	_ =	shalt  }
0x5c: {  	_ =	shalt  }
0x5d: {  	_ =	shalt  }
0x5e: {  	_ =	shalt  }
0x5f: {  	_ =	shalt  }
0x60: {  	_ =	shalt  }
0x61: {  	_ =	shalt  }
0x62: {  	_ =	shalt  }
0x63: {  	_ =	shalt  }
0x64: {  	_ =	shalt  }
0x65: {  	_ =	shalt  }
0x66: {  	_ =	shalt  }
0x67: {  	_ =	shalt  }
0x68: {  	_ =	shalt  }
0x69: {  	_ =	shalt  }
0x6a: {  	_ =	shalt  }
0x6b: {  	_ =	shalt  }
0x6c: {  	_ =	shalt  }
0x6d: {  	_ =	shalt  }
0x6e: {  	_ =	shalt  }
0x6f: {  	_ =	shalt  }
0x70: {  	_ =	shalt  }
0x71: {  	_ =	shalt  }
0x72: {  	_ =	shalt  }
0x73: {  	_ =	shalt  }
0x74: {  	_ =	shalt  }
0x75: {  	_ =	shalt  }
0x76: {  	_ =	shalt  }
0x77: {  	_ =	shalt  }
0x78: {  	_ =	shalt  }
0x79: {  	_ =	shalt  }
0x7a: {  	_ =	shalt  }
0x7b: {  	_ =	shalt  }
0x7c: {  	_ =	shalt  }
0x7d: {  	_ =	shalt  }
0x7e: {  	_ =	shalt  }
0x7f: {  	_ =	shalt  }
0x80: {  	_ =	shalt  }
0x81: {  	_ =	shalt  }
0x82: {  	_ =	shalt  }
0x83: {  	_ =	shalt  }
0x84: {  	_ =	shalt  }
0x85: {  	_ =	shalt  }
0x86: {  	_ =	shalt  }
0x87: {  	_ =	shalt  }
.Lfunc_end0:
.L_simem_size_0:
called_computation_lowered:
.L_overlay_start_0:
0x88: {  	s2 =	sld [smem:$0x3FD9]  }
0x89: {  	s3 =	sld [smem:$0x3FFE];
	_ =	sdelay $0x1  }
0x8a: {  	s1 =	srdreg.scid  }
0x8b: {  	s0 =	sand.u32 $0x1, s1  }
0x8c: {  	s17 =	sshll.u32 s0, $0xA;
	s2 =	sadd.s32 s3, s2  }
0x8d: {  	s2 =	sadd.s32 s2, s17  }
0x8e: {  	[smem:$0x3FC4] =	sst s2  }
0x8f: {  	_ = 	snop  }
0x90: {  	s2 =	sld [smem:$0x3FD0];
	(tm) =	ssettm $0x1  }
0x91: {  	s18 =	sld [smem:$0x3FFB];
	_ =	sdelay $0x3  }
0x92: {  	_ =	strace s18  }
0x93: {  	s3 =	sld [smem:$0x3FFC];
	_ =	sdelay $0x3  }
0x94: {  	_ =	strace s3  }
0x95: {  	s3 =	sld [smem:$0x3FFD];
	_ =	sdelay $0x3  }
0x96: {  	_ =	strace s3  }
0x97: {  	_ =	strace $0x8FFFFFFF  }
0x98: {  	s19 =	sld [smem:$0x3FDB];
	_ =	sdelay $0x1  }
0x99: {  	s4 =	simm.s32 $_scs_section_size  }
0x9a: {  	s5 =	simm.s32 $_size__tile_overlayer_lowered;
	s6 =	simm.s32 $_tile_overlayer_lowered  }
0x9b: {  	s22 =	simm.s32 $0x1BFF;
	s21 =	sshll.u32 s6, $0x1;
	s3 =	sadd.s32 s4, s19  }
0x9c: {  	s7 =	simm.s32 $0x0;
	s20 =	sshll.u32 s5, $0x1;
	s5 =	sadd.s32 s21, s3  }
0x9d: {  	[timem:s7], [sflag:s22] =	dma.local [hbm:s5], s20  }
0x9e: {  	_ =	swait.ge [sflag:s22], s20  }
0x9f: {  	s4 =	ssub.s32 $0x0, s20;
	[sflag:s22] =	ssyncset.done $0x0  }
0xa0: {  	[sflag:s22] =	ssyncadd.s32 s4;
	_ =	sdelay $0x1  }
0xa1: {  	s23 =	simm.s32 $0x1B8B  }
0xa2: {  	_ =	swait.ge [sflag:s23], $0x1  }
0xa3: {  	[sflag:s23] =	ssyncset.done $0x0  }
0xa4: {  	s25 =	simm.s32 $0x1B8E;
	s24 =	sld [smem:$0x3FFE];
	[sflag:s23] =	ssyncadd.s32 $0xFFFFFFFF  }
0xa5: {  	s26 =	simm.s32 $execute0_lowered;
	[smem:$0x3FD2] =	sst s25  }
0xa6: {  	s5 =	sshll.u32 s26, $0x1;
	_ =	strace $0x80000046;
	[dreg:$0x1] =	wrdreg $0xFFFFFFFF  }
0xa7: {  	s28 =	simm.s32 $_size_execute0_lowered;
	s3 =	sadd.s32 s3, s5;
	[dreg:$0x0] =	wrdreg $0x0  }
0xa8: {  	s5 =	sshll.u32 s28, $0x1;
	[dreg:$0x2] =	wrdreg s3  }
0xa9: {  	[dreg:$0x3] =	wrdreg s5  }
0xaa: {  	[dreg:$0x4] =	wrdreg $0xC0  }
0xab: {  	_ =	task [dreg:s7], $0x5FFFF  }
0xac: {  	[dreg:$0x1] =	wrdreg $0xFFFFFFFF  }
0xad: {  	[dreg:$0x0] =	wrdreg $0x60  }
0xae: {  	[dreg:$0x2] =	wrdreg s24  }
0xaf: {  	[dreg:$0x3] =	wrdreg s2  }
0xb0: {  	[dreg:$0x4] =	wrdreg $0x9  }
0xb1: {  	_ =	task.clear_ibuf [dreg:s7], $0x5FFFF;
	_ =	strace $0x90000046  }
0xb2: {  	s29 =	simm.s32 $0x9;
	_ =	strace $0x80000048  }
0xb3: {  	_ =	swait.ge [sflag:s29], $0x1  }
0xb4: {  	[sflag:s29] =	ssyncadd.s32 $0xFFFFFFFF  }
0xb5: {  	_ =	strace $0x90000048  }
0xb6: {  	_ =	sfence  }
0xb7: {  	s30 =	sld [smem:$0x0];
	_ =	sdelay $0x2  }
0xb8: {  	s31 =	sshll.u32 s1, $0xD;
	s1 =	sshrl.u32 s1, $0x2  }
0xb9: {  	s3 =	sand.u32 $0x4000, s31;
	s1 =	sadd.s32 s1, s30  }
0xba: {  	s0 =	sor.u32 s3, s0;
	s1 =	sshll.u32 s1, $0x11  }
0xbb: {  	s0 =	sor.u32 s1, s0  }
0xbc: {  	s0 =	sadd.s32 $0x8F2B, s0  }
0xbd: {  	[sflag:s0] =	ssyncadd.remote.s32 $0x1  }
0xbe: {  	_ =	sfence.sel $0xFFFF  }
0xbf: {  	[dreg:$0x0] =	wrdreg $0xFFFFFFFF;
	(pc) =	sbr.abs _section_cstart, $3  }
0xc0: {  	[dreg:$0x1] =	wrdreg $0xFFFFFFFF  }
0xc1: {  	_ =	task.clear_ibuf [dreg:s7], $0x2FFFF;
	_ =	strace $0x9FFFFFFF  }
0xc2: {  	(tm) =	ssettm $0x7FFFFFFF  }
0xc3: {  	_ =	shalt  }
tec
execute0_lowered:
.L_overlay_start_1:
0x0: {  	(tag) =	ssettag $0x1  }
0x1: {  	s0 =	rddreg [dreg:$0x0]  }
0x2: {  	s1 =	srdreg.scid;
	s7 =	stileid.u32  }
0x3: {  	s12 =	rddreg [dreg:$0x1];
	s2 =	simm.s32 $0x0;
	s17 =	simm.s32 $0x80  }
0x4: {  	s18 =	simm.s32 $0x500;
	s19 =	simm.s32 $0x2500;
	s20 =	simm.s32 $0x8500  }
0x5: {  	s28 =	simm.s32 $0x2;
	s29 =	simm.s32 $0x3;
	s31 =	simm.s32 $0x10500  }
0x6: {  	s1 =	sand.u32 $0x1, s1;
	s3 =	sshll.u32 s7, $0x1;
	[smem:$0x7FF] =	sst s2  }
0x7: {  	s8 =	sadd.s32 $0x6800, s0;
	s21 =	sshll.u32 s7, $0xA;
	s4 =	sor.u32 s1, s3  }
0x8: {  	_ =	strace $0x80000047;
	s1 =	ssub.s32 $0x2, s1;
	s10 =	sand.u32 $0x2000, s21  }
0x9: {  	s21 =	simm.s32 $0x1;
	s3 =	smul.u32 $0xA0, s4;
	s6 =	sshll.u32 s4, $0x4  }
0xa: {  	s22 =	sshll.u32 s4, $0xB;
	s9 =	smul.u32 $0x2800, s4;
	s23 =	sshrl.u32 s1, $0x1  }
0xb: {  	s24 =	sand.u32 $0x1800, s22;
	s1 =	ssub.s32 s1, s23;
	s23 =	simm.s32 $0x4500  }
0xc: {  	s5 =	sadd.s32 s3, s0;
	s3 =	sadd.s32 $0x2800, s0;
	s0 =	sadd.s32 s6, s0  }
0xd: {  	s6 =	sor.u32 s10, s24;
	s11 =	sadd.s32 $0x800, s9;
	s13 =	sadd.s32 $0x1000, s9  }
0xe: {  	s14 =	sadd.s32 $0x1800, s9;
	s7 =	sadd.s32 s12, s9;
	s4 =	sadd.s32 $0x1400, s5  }
0xf: {  	s5 =	sadd.s32 s8, s6;
	s25 =	sand.u32 $0x1800, s11;
	s15 =	sand.u32 $0x1800, s13  }
0x10: {  	s16 =	sand.u32 $0x1800, s14;
	s9 =	sadd.s32 s12, s11;
	s11 =	sadd.s32 s12, s13  }
0x11: {  	s12 =	sadd.s32 s12, s14;
	s13 =	sadd.s32 $0x2000, s7;
	s14 =	sadd.s32 $0xA800, s0  }
0x12: {  	s0 =	simm.s32 $0x0;
	s6 =	sadd.s32 s8, s25;
	s26 =	sadd.s32 s8, s15  }
0x13: {  	s30 =	sadd.s32 s8, s16;
	s15 =	smax.u32 s1, $0x1;
	s16 =	simm.s32 $0x5  }
0x14: {  	s25 =	simm.s32 $0x6500;
	s1 =	simm.s32 $0x4;
	s6 =	sadd.s32 s10, s6  }
0x15: {  	s8 =	sadd.s32 s10, s26;
	s10 =	sadd.s32 s10, s30;
	s26 =	simm.s32 $0xC500  }
.LBB2_1:
0x16: {  	[tilespmem:s2], [sflag:$0x5] =	stream.linear.gather [hbm4b:s4+s2], $0x500, $0x38;
	[tilespmem:$0x10580] =	vst v63  }
0x17: {  	_ =	swait.ge [sflag:s16], $0x500  }
0x18: {  	[sflag:s16] =	ssyncset.done $0x0  }
0x19: {  	[sflag:s16] =	ssyncadd.s32 $0xFFFFFB00  }
0x1a: {  	[tilespmem:s18], [sflag:$0x1] =	stream.indirect.gather [hbm4b:s3+s17], $0x40, s2, s17, $0xb8;
	[tilespmem:$0x10580] =	vst v63  }
0x1b: {  	_ = 	snop  }
0x1c: {  	[tilespmem:s19], [sflag:$0x1] =	stream.indirect.gather [hbm4b:s3+s17], $0x40, s17, s17, $0xb8;
	[tilespmem:$0x10580] =	vst v63  }
0x1d: {  	_ = 	snop  }
0x1e: {  	[tilespmem:s20], [sflag:$0x1] =	stream.linear.gather [hbm4b:s5+s2], $0x4000, $0x38;
	[tilespmem:$0x10580] =	vst v63  }
0x1f: {  	_ =	swait.ge [sflag:s21], $0x2000  }
0x20: {  	[sflag:s21] =	ssyncset.done $0x0  }
0x21: {  	[sflag:s21] =	ssyncadd.s32 $0xFFFFE000  }
0x22: {  	_ =	swait.ge [sflag:s21], $0x2000  }
0x23: {  	[sflag:s21] =	ssyncset.done $0x0  }
0x24: {  	[sflag:s21] =	ssyncadd.s32 $0xFFFFE000  }
0x25: {  	_ =	swait.ge [sflag:s21], $0x4000  }
0x26: {  	[sflag:s21] =	ssyncset.done $0x0  }
0x27: {  	s22 =	simm.s32 $0x100;
	[sflag:s21] =	ssyncadd.s32 $0xFFFFC000  }
0x28: {  	[tilespmem:s23], [sflag:$0x2] =	stream.indirect.gather [hbm4b:s3+s17], $0x40, s22, s17, $0xb8;
	[tilespmem:$0x10580] =	vst v63  }
0x29: {  	s24 =	simm.s32 $0x180  }
0x2a: {  	[tilespmem:s25], [sflag:$0x2] =	stream.indirect.gather [hbm4b:s3+s17], $0x40, s24, s17, $0xb8;
	[tilespmem:$0x10580] =	vst v63  }
0x2b: {  	s24 =	simm.s32 $0x0  }
0x2c: {  	[tilespmem:s26], [sflag:$0x2] =	stream.linear.gather [hbm4b:s6+s2], $0x4000, $0x38;
	[tilespmem:$0x10580] =	vst v63  }
0x2d: {  	v0 =	vld [tilespmem:s24+$0x8500]  }
0x2e: {  	v1 =	vld [tilespmem:s24+$0x8510]  }
0x2f: {  	v4 =	vld [tilespmem:s24+$0x8530]  }
0x30: {  	v2 =	vld [tilespmem:s24+$0x500]  }
0x31: {  	v5 =	vld [tilespmem:s24+$0x510]  }
0x32: {  	v7 =	vld [tilespmem:s24+$0x530]  }
0x33: {  	v3 =	vld [tilespmem:s24+$0x8520]  }
0x34: {  	v6 =	vld [tilespmem:s24+$0x520]  }
0x35: {  	s22 =	simm.s32 $0x40  }
0x36: {  	v8 =	vld [tilespmem:s22+$0x8500];
	v9 =	vadd.f32 v0, v2;
	v2 =	vimm.f32 $0.0e+00  }
0x37: {  	v10 =	vld [tilespmem:s22+$0x8510];
	v5 =	vadd.f32 v1, v5;
	v11 =	vadd.f32 v4, v7;
	v7 =	vimm.f32 $0.0e+00  }
0x38: {  	v15 =	vld [tilespmem:s22+$0x8520];
	v4 =	vimm.f32 $0.0e+00;
	v0 =	vadd.f32 v9, v2;
	v14 =	vmul.f32 v9, v9  }
0x39: {  	v13 =	vld [tilespmem:s22+$0x8530];
	[tilespmem:s24+$0x500] =	vst v9;
	v9 =	vadd.f32 v3, v6;
	v1 =	vadd.f32 v5, v2;
	v12 =	vmul.f32 v5, v5  }
0x3a: {  	s30 =	simm.s32 $0x200;
	v3 =	vimm.f32 $0.0e+00;
	v6 =	vimm.f32 $0.0e+00;
	v16 =	vld [tilespmem:s22+$0x500];
	[tilespmem:s24+$0x510] =	vst v5;
	v5 =	vimm.f32 $0.0e+00  }
.LBB2_2:
0x3b: {  	p0 =	sne.s32 s30, $0xFF00;
	v17 =	vld [tilespmem:s22+$0x510];
	v2 =	vadd.f32 v14, v2;
	[tilespmem:s24+$0x520] =	vst v9;
	v7 =	vadd.f32 v9, v7;
	v14 =	vmul.f32 v9, v9  }
0x3c: {  	v18 =	vld [tilespmem:s22+$0x520];
	v3 =	vadd.f32 v12, v3;
	[tilespmem:s24+$0x530] =	vst v11;
	v6 =	vadd.f32 v11, v6;
	v21 =	vmul.f32 v11, v11;
	s24 =	smov.u32 s22  }
0x3d: {  	v9 =	vmovc v8;
	s22 =	sshra.s32 s30, $0x2;
	v12 =	vmov v10;
	v19 =	vld [tilespmem:s24+$0x530];
	v4 =	vadd.f32 v14, v4;
	v20 =	vmov v15  }
.Ltmp0:
0x3e: {  	v8 =	vld [tilespmem:s22+$0x8500];
	v5 =	vadd.f32 v21, v5;
	v11 =	vmov v13;
	(pc) =	sbr.rel @p0 .LBB2_2-.Ltmp0, $4  }
0x3f: {  	v10 =	vld [tilespmem:s22+$0x8510];
	v9 =	vadd.f32 v9, v16  }
0x40: {  	v15 =	vld [tilespmem:s22+$0x8520];
	v12 =	vadd.f32 v12, v17  }
0x41: {  	v13 =	vld [tilespmem:s22+$0x8530];
	[tilespmem:s24+$0x500] =	vst v9;
	v0 =	vadd.f32 v9, v0;
	v14 =	vmul.f32 v9, v9;
	v9 =	vadd.f32 v20, v18  }
0x42: {  	s30 =	sadd.s32 $0x100, s30;
	v16 =	vld [tilespmem:s22+$0x500];
	[tilespmem:s24+$0x510] =	vst v12;
	v1 =	vadd.f32 v12, v1;
	v12 =	vmul.f32 v12, v12;
	v11 =	vadd.f32 v11, v19  }
0x43: {  	v17 =	vld [tilespmem:s22+$0x510];
	[tilespmem:s24+$0x520] =	vst v9  }
0x44: {  	v18 =	vld [tilespmem:s22+$0x520];
	[tilespmem:s24+$0x530] =	vst v11  }
0x45: {  	v19 =	vld [tilespmem:s22+$0x530];
	_ =	sdelay $0x1  }
0x46: {  	v8 =	vadd.f32 v8, v16  }
0x47: {  	v10 =	vadd.f32 v10, v17  }
0x48: {  	[tilespmem:s22+$0x500] =	vst v8;
	v15 =	vadd.f32 v15, v18  }
0x49: {  	[tilespmem:s22+$0x510] =	vst v10;
	v13 =	vadd.f32 v13, v19  }
0x4a: {  	[tilespmem:s22+$0x520] =	vst v15  }
0x4b: {  	[tilespmem:s22+$0x530] =	vst v13;
	s22 =	simm.s32 $0x0  }
0x4c: {  	[hbm4b:s7+s22] =	stream.linear.scatter [tilespmem:s18], [sflag:$0x3], $0x4000, $0x38;
	[tilespmem:$0x10580] =	vst v63  }
0x4d: {  	_ =	swait.ge [sflag:s28], $0x2000  }
0x4e: {  	[sflag:s28] =	ssyncset.done $0x0  }
0x4f: {  	[sflag:s28] =	ssyncadd.s32 $0xFFFFE000  }
0x50: {  	_ =	swait.ge [sflag:s28], $0x2000  }
0x51: {  	[sflag:s28] =	ssyncset.done $0x0  }
0x52: {  	[sflag:s28] =	ssyncadd.s32 $0xFFFFE000  }
0x53: {  	_ =	swait.ge [sflag:s28], $0x4000  }
0x54: {  	[sflag:s28] =	ssyncset.done $0x0  }
0x55: {  	[sflag:s28] =	ssyncadd.s32 $0xFFFFC000  }
0x56: {  	_ =	swait.ge [sflag:s29], $0x4000  }
0x57: {  	[sflag:s29] =	ssyncset.done $0x0  }
0x58: {  	s24 =	simm.s32 $0x200;
	[sflag:s29] =	ssyncadd.s32 $0xFFFFC000  }
0x59: {  	[tilespmem:s18], [sflag:$0x1] =	stream.indirect.gather [hbm4b:s3+s17], $0x40, s24, s17, $0xb8;
	[tilespmem:$0x10580] =	vst v63  }
0x5a: {  	s24 =	simm.s32 $0x280  }
0x5b: {  	[tilespmem:s19], [sflag:$0x1] =	stream.indirect.gather [hbm4b:s3+s17], $0x40, s24, s17, $0xb8;
	[tilespmem:$0x10580] =	vst v63  }
0x5c: {  	_ = 	snop  }
0x5d: {  	[tilespmem:s20], [sflag:$0x1] =	stream.linear.gather [hbm4b:s8+s22], $0x4000, $0x38;
	[tilespmem:$0x10580] =	vst v63  }
0x5e: {  	s22 =	simm.s32 $0x0  }
0x5f: {  	v16 =	vld [tilespmem:s22+$0xC500]  }
0x60: {  	v17 =	vld [tilespmem:s22+$0xC510]  }
0x61: {  	v2 =	vadd.f32 v14, v2;
	v18 =	vld [tilespmem:s22+$0xC520]  }
0x62: {  	v7 =	vadd.f32 v9, v7;
	v9 =	vmul.f32 v9, v9;
	v20 =	vmul.f32 v11, v11;
	v19 =	vld [tilespmem:s22+$0xC530]  }
0x63: {  	v3 =	vadd.f32 v12, v3;
	v6 =	vadd.f32 v11, v6;
	v14 =	vld [tilespmem:s22+$0x4500]  }
0x64: {  	v4 =	vadd.f32 v9, v4;
	v20 =	vadd.f32 v20, v5;
	v5 =	vmul.f32 v8, v8;
	v21 =	vld [tilespmem:s22+$0x4510]  }
0x65: {  	v24 =	vadd.f32 v8, v0;
	v25 =	vadd.f32 v10, v1;
	v0 =	vmul.f32 v10, v10;
	v22 =	vld [tilespmem:s22+$0x4520]  }
0x66: {  	v2 =	vadd.f32 v5, v2;
	v1 =	vadd.f32 v15, v7;
	v7 =	vmul.f32 v15, v15;
	s24 =	simm.s32 $0x40;
	v23 =	vld [tilespmem:s22+$0x4530]  }
0x67: {  	v0 =	vadd.f32 v0, v3;
	v10 =	vmul.f32 v13, v13;
	v5 =	vadd.f32 v13, v6;
	v8 =	vld [tilespmem:s24+$0xC500]  }
0x68: {  	v3 =	vadd.f32 v7, v4;
	v9 =	vld [tilespmem:s24+$0xC510];
	v14 =	vadd.f32 v16, v14  }
0x69: {  	v6 =	vadd.f32 v10, v20;
	v11 =	vld [tilespmem:s24+$0xC520];
	v13 =	vadd.f32 v17, v21  }
0x6a: {  	v12 =	vld [tilespmem:s24+$0xC530];
	v10 =	vadd.f32 v18, v22;
	[tilespmem:s22+$0x4500] =	vst v14;
	v4 =	vadd.f32 v14, v24;
	v14 =	vmul.f32 v14, v14  }
0x6b: {  	s30 =	simm.s32 $0x200;
	v7 =	vadd.f32 v13, v25;
	v15 =	vmul.f32 v13, v13;
	v16 =	vld [tilespmem:s24+$0x4500];
	[tilespmem:s22+$0x4510] =	vst v13;
	v13 =	vadd.f32 v19, v23  }
.LBB2_4:
0x6c: {  	p0 =	sne.s32 s30, $0xFF00;
	v17 =	vld [tilespmem:s24+$0x4510];
	v2 =	vadd.f32 v14, v2;
	[tilespmem:s22+$0x4520] =	vst v10;
	v1 =	vadd.f32 v10, v1;
	v21 =	vmul.f32 v10, v10  }
0x6d: {  	v18 =	vld [tilespmem:s24+$0x4520];
	v0 =	vadd.f32 v15, v0;
	[tilespmem:s22+$0x4530] =	vst v13;
	v5 =	vadd.f32 v13, v5;
	v20 =	vmul.f32 v13, v13;
	s22 =	smov.u32 s24  }
0x6e: {  	v10 =	vmovc v8;
	s24 =	sshra.s32 s30, $0x2;
	v14 =	vmov v9;
	v19 =	vld [tilespmem:s22+$0x4530];
	v3 =	vadd.f32 v21, v3;
	v15 =	vmov v11  }
.Ltmp1:
0x6f: {  	v8 =	vld [tilespmem:s24+$0xC500];
	v6 =	vadd.f32 v20, v6;
	v13 =	vmov v12;
	(pc) =	sbr.rel @p0 .LBB2_4-.Ltmp1, $4  }
0x70: {  	v9 =	vld [tilespmem:s24+$0xC510];
	v10 =	vadd.f32 v10, v16  }
0x71: {  	v11 =	vld [tilespmem:s24+$0xC520];
	v17 =	vadd.f32 v14, v17  }
0x72: {  	v12 =	vld [tilespmem:s24+$0xC530];
	[tilespmem:s22+$0x4500] =	vst v10;
	v4 =	vadd.f32 v10, v4;
	v14 =	vmul.f32 v10, v10;
	v10 =	vadd.f32 v15, v18  }
0x73: {  	s30 =	sadd.s32 $0x100, s30;
	v16 =	vld [tilespmem:s24+$0x4500];
	[tilespmem:s22+$0x4510] =	vst v17;
	v7 =	vadd.f32 v17, v7;
	v15 =	vmul.f32 v17, v17;
	v13 =	vadd.f32 v13, v19  }
0x74: {  	v17 =	vld [tilespmem:s24+$0x4510];
	[tilespmem:s22+$0x4520] =	vst v10  }
0x75: {  	v18 =	vld [tilespmem:s24+$0x4520];
	[tilespmem:s22+$0x4530] =	vst v13  }
0x76: {  	v19 =	vld [tilespmem:s24+$0x4530];
	_ =	sdelay $0x1  }
0x77: {  	v8 =	vadd.f32 v8, v16  }
0x78: {  	v9 =	vadd.f32 v9, v17  }
0x79: {  	[tilespmem:s24+$0x4500] =	vst v8;
	v11 =	vadd.f32 v11, v18  }
0x7a: {  	[tilespmem:s24+$0x4510] =	vst v9;
	v12 =	vadd.f32 v12, v19  }
0x7b: {  	[tilespmem:s24+$0x4520] =	vst v11  }
0x7c: {  	s22 =	simm.s32 $0x0;
	[tilespmem:s24+$0x4530] =	vst v12  }
0x7d: {  	[hbm4b:s9+s22] =	stream.linear.scatter [tilespmem:s23], [sflag:$0x4], $0x4000, $0x38;
	[tilespmem:$0x10580] =	vst v63  }
0x7e: {  	_ =	swait.ge [sflag:s21], $0x2000  }
0x7f: {  	[sflag:s21] =	ssyncset.done $0x0  }
0x80: {  	[sflag:s21] =	ssyncadd.s32 $0xFFFFE000  }
0x81: {  	_ =	swait.ge [sflag:s21], $0x2000  }
0x82: {  	[sflag:s21] =	ssyncset.done $0x0  }
0x83: {  	[sflag:s21] =	ssyncadd.s32 $0xFFFFE000  }
0x84: {  	_ =	swait.ge [sflag:s21], $0x4000  }
0x85: {  	[sflag:s21] =	ssyncset.done $0x0  }
0x86: {  	[sflag:s21] =	ssyncadd.s32 $0xFFFFC000  }
0x87: {  	_ =	swait.ge [sflag:s1], $0x4000  }
0x88: {  	[sflag:s1] =	ssyncset.done $0x0  }
0x89: {  	s24 =	simm.s32 $0x300;
	[sflag:s1] =	ssyncadd.s32 $0xFFFFC000  }
0x8a: {  	[tilespmem:s23], [sflag:$0x2] =	stream.indirect.gather [hbm4b:s3+s17], $0x40, s24, s17, $0xb8;
	[tilespmem:$0x10580] =	vst v63  }
0x8b: {  	s24 =	simm.s32 $0x380  }
0x8c: {  	[tilespmem:s25], [sflag:$0x2] =	stream.indirect.gather [hbm4b:s3+s17], $0x40, s24, s17, $0xb8;
	[tilespmem:$0x10580] =	vst v63  }
0x8d: {  	_ = 	snop  }
0x8e: {  	[tilespmem:s26], [sflag:$0x2] =	stream.linear.gather [hbm4b:s10+s22], $0x4000, $0x38;
	[tilespmem:$0x10580] =	vst v63  }
0x8f: {  	s22 =	simm.s32 $0x0  }
0x90: {  	v16 =	vld [tilespmem:s22+$0x8500]  }
0x91: {  	v17 =	vld [tilespmem:s22+$0x8510]  }
0x92: {  	v2 =	vadd.f32 v14, v2;
	v18 =	vld [tilespmem:s22+$0x8520]  }
0x93: {  	v1 =	vadd.f32 v10, v1;
	v10 =	vmul.f32 v10, v10;
	v20 =	vmul.f32 v13, v13;
	v19 =	vld [tilespmem:s22+$0x8530]  }
0x94: {  	v0 =	vadd.f32 v15, v0;
	v5 =	vadd.f32 v13, v5;
	v14 =	vld [tilespmem:s22+$0x500]  }
0x95: {  	v3 =	vadd.f32 v10, v3;
	v6 =	vadd.f32 v20, v6;
	v10 =	vmul.f32 v8, v8;
	v21 =	vld [tilespmem:s22+$0x510]  }
0x96: {  	v4 =	vadd.f32 v8, v4;
	v7 =	vadd.f32 v9, v7;
	v15 =	vmul.f32 v9, v9;
	v13 =	vld [tilespmem:s22+$0x520]  }
0x97: {  	v2 =	vadd.f32 v10, v2;
	v1 =	vadd.f32 v11, v1;
	v10 =	vmul.f32 v11, v11;
	s24 =	simm.s32 $0x40;
	v63 =	vld [tilespmem:s22+$0x530]  }
0x98: {  	v0 =	vadd.f32 v15, v0;
	v15 =	vmul.f32 v12, v12;
	v5 =	vadd.f32 v12, v5;
	v8 =	vld [tilespmem:s24+$0x8500]  }
0x99: {  	v3 =	vadd.f32 v10, v3;
	v9 =	vld [tilespmem:s24+$0x8510];
	v14 =	vadd.f32 v16, v14  }
0x9a: {  	v6 =	vadd.f32 v15, v6;
	v11 =	vld [tilespmem:s24+$0x8520];
	v15 =	vadd.f32 v17, v21  }
0x9b: {  	v12 =	vld [tilespmem:s24+$0x8530];
	v10 =	vadd.f32 v18, v13;
	[tilespmem:s22+$0x500] =	vst v14;
	v4 =	vadd.f32 v14, v4;
	v14 =	vmul.f32 v14, v14  }
0x9c: {  	s30 =	simm.s32 $0x200;
	v13 =	vadd.f32 v19, v63;
	v7 =	vadd.f32 v15, v7;
	v16 =	vld [tilespmem:s24+$0x500];
	[tilespmem:s22+$0x510] =	vst v15;
	v15 =	vmul.f32 v15, v15  }
.LBB2_6:
0x9d: {  	p0 =	sne.s32 s30, $0xFF00;
	v17 =	vld [tilespmem:s24+$0x510];
	v2 =	vadd.f32 v14, v2;
	[tilespmem:s22+$0x520] =	vst v10;
	v1 =	vadd.f32 v10, v1;
	v21 =	vmul.f32 v10, v10  }
0x9e: {  	v18 =	vld [tilespmem:s24+$0x520];
	v0 =	vadd.f32 v15, v0;
	[tilespmem:s22+$0x530] =	vst v13;
	v5 =	vadd.f32 v13, v5;
	v20 =	vmul.f32 v13, v13;
	s22 =	smov.u32 s24  }
0x9f: {  	v10 =	vmovc v8;
	s24 =	sshra.s32 s30, $0x2;
	v14 =	vmov v9;
	v19 =	vld [tilespmem:s22+$0x530];
	v3 =	vadd.f32 v21, v3;
	v15 =	vmov v11  }
.Ltmp2:
0xa0: {  	v8 =	vld [tilespmem:s24+$0x8500];
	v6 =	vadd.f32 v20, v6;
	v13 =	vmov v12;
	(pc) =	sbr.rel @p0 .LBB2_6-.Ltmp2, $4  }
0xa1: {  	v9 =	vld [tilespmem:s24+$0x8510];
	v10 =	vadd.f32 v10, v16  }
0xa2: {  	v11 =	vld [tilespmem:s24+$0x8520];
	v17 =	vadd.f32 v14, v17  }
0xa3: {  	v12 =	vld [tilespmem:s24+$0x8530];
	[tilespmem:s22+$0x500] =	vst v10;
	v4 =	vadd.f32 v10, v4;
	v14 =	vmul.f32 v10, v10;
	v10 =	vadd.f32 v15, v18  }
0xa4: {  	s30 =	sadd.s32 $0x100, s30;
	v16 =	vld [tilespmem:s24+$0x500];
	[tilespmem:s22+$0x510] =	vst v17;
	v7 =	vadd.f32 v17, v7;
	v15 =	vmul.f32 v17, v17;
	v13 =	vadd.f32 v13, v19  }
0xa5: {  	v17 =	vld [tilespmem:s24+$0x510];
	[tilespmem:s22+$0x520] =	vst v10  }
0xa6: {  	v18 =	vld [tilespmem:s24+$0x520];
	[tilespmem:s22+$0x530] =	vst v13  }
0xa7: {  	v19 =	vld [tilespmem:s24+$0x530];
	_ =	sdelay $0x1  }
0xa8: {  	v8 =	vadd.f32 v8, v16  }
0xa9: {  	v9 =	vadd.f32 v9, v17  }
0xaa: {  	[tilespmem:s24+$0x500] =	vst v8;
	v11 =	vadd.f32 v11, v18  }
0xab: {  	[tilespmem:s24+$0x510] =	vst v9;
	v12 =	vadd.f32 v12, v19  }
0xac: {  	[tilespmem:s24+$0x520] =	vst v11  }
0xad: {  	s22 =	simm.s32 $0x0;
	[tilespmem:s24+$0x530] =	vst v12  }
0xae: {  	[hbm4b:s11+s22] =	stream.linear.scatter [tilespmem:s18], [sflag:$0x3], $0x4000, $0x38;
	[tilespmem:$0x10580] =	vst v63  }
0xaf: {  	_ =	swait.ge [sflag:s28], $0x2000  }
0xb0: {  	[sflag:s28] =	ssyncset.done $0x0  }
0xb1: {  	[sflag:s28] =	ssyncadd.s32 $0xFFFFE000  }
0xb2: {  	_ =	swait.ge [sflag:s28], $0x2000  }
0xb3: {  	[sflag:s28] =	ssyncset.done $0x0  }
0xb4: {  	[sflag:s28] =	ssyncadd.s32 $0xFFFFE000  }
0xb5: {  	_ =	swait.ge [sflag:s28], $0x4000  }
0xb6: {  	[sflag:s28] =	ssyncset.done $0x0  }
0xb7: {  	[sflag:s28] =	ssyncadd.s32 $0xFFFFC000  }
0xb8: {  	_ =	swait.ge [sflag:s29], $0x4000  }
0xb9: {  	[sflag:s29] =	ssyncset.done $0x0  }
0xba: {  	s24 =	simm.s32 $0x400;
	[sflag:s29] =	ssyncadd.s32 $0xFFFFC000  }
0xbb: {  	[tilespmem:s18], [sflag:$0x1] =	stream.indirect.gather [hbm4b:s3+s17], $0x40, s24, s17, $0xb8;
	[tilespmem:$0x10580] =	vst v63  }
0xbc: {  	s24 =	simm.s32 $0x480  }
0xbd: {  	[tilespmem:s19], [sflag:$0x1] =	stream.indirect.gather [hbm4b:s3+s17], $0x40, s24, s17, $0xb8;
	[tilespmem:$0x10580] =	vst v63  }
0xbe: {  	_ = 	snop  }
0xbf: {  	[tilespmem:s20], [sflag:$0x1] =	stream.linear.gather [hbm4b:s5+s22], $0x4000, $0x38;
	[tilespmem:$0x10580] =	vst v63  }
0xc0: {  	s22 =	simm.s32 $0x0  }
0xc1: {  	v16 =	vld [tilespmem:s22+$0xC500]  }
0xc2: {  	v17 =	vld [tilespmem:s22+$0xC510]  }
0xc3: {  	v2 =	vadd.f32 v14, v2;
	v18 =	vld [tilespmem:s22+$0xC520]  }
0xc4: {  	v1 =	vadd.f32 v10, v1;
	v10 =	vmul.f32 v10, v10;
	v20 =	vmul.f32 v13, v13;
	v19 =	vld [tilespmem:s22+$0xC530]  }
0xc5: {  	v0 =	vadd.f32 v15, v0;
	v5 =	vadd.f32 v13, v5;
	v14 =	vld [tilespmem:s22+$0x4500]  }
0xc6: {  	v3 =	vadd.f32 v10, v3;
	v6 =	vadd.f32 v20, v6;
	v10 =	vmul.f32 v8, v8;
	v21 =	vld [tilespmem:s22+$0x4510]  }
0xc7: {  	v4 =	vadd.f32 v8, v4;
	v7 =	vadd.f32 v9, v7;
	v15 =	vmul.f32 v9, v9;
	v13 =	vld [tilespmem:s22+$0x4520]  }
0xc8: {  	v2 =	vadd.f32 v10, v2;
	v1 =	vadd.f32 v11, v1;
	v11 =	vmul.f32 v11, v11;
	s24 =	simm.s32 $0x40;
	v63 =	vld [tilespmem:s22+$0x4530]  }
0xc9: {  	v0 =	vadd.f32 v15, v0;
	v15 =	vmul.f32 v12, v12;
	v5 =	vadd.f32 v12, v5;
	v8 =	vld [tilespmem:s24+$0xC500]  }
0xca: {  	v3 =	vadd.f32 v11, v3;
	v9 =	vld [tilespmem:s24+$0xC510];
	v14 =	vadd.f32 v16, v14  }
0xcb: {  	v6 =	vadd.f32 v15, v6;
	v10 =	vld [tilespmem:s24+$0xC520];
	v15 =	vadd.f32 v17, v21  }
0xcc: {  	v11 =	vld [tilespmem:s24+$0xC530];
	v12 =	vadd.f32 v18, v13;
	[tilespmem:s22+$0x4500] =	vst v14;
	v4 =	vadd.f32 v14, v4;
	v14 =	vmul.f32 v14, v14  }
0xcd: {  	s30 =	simm.s32 $0x200;
	v13 =	vadd.f32 v19, v63;
	v7 =	vadd.f32 v15, v7;
	v16 =	vld [tilespmem:s24+$0x4500];
	[tilespmem:s22+$0x4510] =	vst v15;
	v15 =	vmul.f32 v15, v15  }
.LBB2_8:
0xce: {  	p0 =	sne.s32 s30, $0xFF00;
	v17 =	vld [tilespmem:s24+$0x4510];
	v2 =	vadd.f32 v14, v2;
	[tilespmem:s22+$0x4520] =	vst v12;
	v1 =	vadd.f32 v12, v1;
	v21 =	vmul.f32 v12, v12  }
0xcf: {  	v18 =	vld [tilespmem:s24+$0x4520];
	v0 =	vadd.f32 v15, v0;
	[tilespmem:s22+$0x4530] =	vst v13;
	v5 =	vadd.f32 v13, v5;
	v20 =	vmul.f32 v13, v13;
	s22 =	smov.u32 s24  }
0xd0: {  	v12 =	vmovc v8;
	s24 =	sshra.s32 s30, $0x2;
	v14 =	vmov v9;
	v19 =	vld [tilespmem:s22+$0x4530];
	v3 =	vadd.f32 v21, v3;
	v15 =	vmov v10  }
.Ltmp3:
0xd1: {  	v8 =	vld [tilespmem:s24+$0xC500];
	v6 =	vadd.f32 v20, v6;
	v13 =	vmov v11;
	(pc) =	sbr.rel @p0 .LBB2_8-.Ltmp3, $4  }
0xd2: {  	v9 =	vld [tilespmem:s24+$0xC510];
	v12 =	vadd.f32 v12, v16  }
0xd3: {  	v10 =	vld [tilespmem:s24+$0xC520];
	v17 =	vadd.f32 v14, v17  }
0xd4: {  	v11 =	vld [tilespmem:s24+$0xC530];
	[tilespmem:s22+$0x4500] =	vst v12;
	v4 =	vadd.f32 v12, v4;
	v14 =	vmul.f32 v12, v12;
	v12 =	vadd.f32 v15, v18  }
0xd5: {  	s30 =	sadd.s32 $0x100, s30;
	v16 =	vld [tilespmem:s24+$0x4500];
	[tilespmem:s22+$0x4510] =	vst v17;
	v7 =	vadd.f32 v17, v7;
	v15 =	vmul.f32 v17, v17;
	v13 =	vadd.f32 v13, v19  }
0xd6: {  	v17 =	vld [tilespmem:s24+$0x4510];
	[tilespmem:s22+$0x4520] =	vst v12  }
0xd7: {  	v18 =	vld [tilespmem:s24+$0x4520];
	[tilespmem:s22+$0x4530] =	vst v13  }
0xd8: {  	v19 =	vld [tilespmem:s24+$0x4530];
	_ =	sdelay $0x1  }
0xd9: {  	v8 =	vadd.f32 v8, v16  }
0xda: {  	v9 =	vadd.f32 v9, v17  }
0xdb: {  	[tilespmem:s24+$0x4500] =	vst v8;
	v10 =	vadd.f32 v10, v18  }
0xdc: {  	[tilespmem:s24+$0x4510] =	vst v9;
	v11 =	vadd.f32 v11, v19  }
0xdd: {  	[tilespmem:s24+$0x4520] =	vst v10  }
0xde: {  	[tilespmem:s24+$0x4530] =	vst v11;
	s24 =	simm.s32 $0x0  }
0xdf: {  	[hbm4b:s12+s24] =	stream.linear.scatter [tilespmem:s23], [sflag:$0x4], $0x4000, $0x38;
	[tilespmem:$0x10580] =	vst v63  }
0xe0: {  	_ =	swait.ge [sflag:s21], $0x2000  }
0xe1: {  	[sflag:s21] =	ssyncset.done $0x0  }
0xe2: {  	[sflag:s21] =	ssyncadd.s32 $0xFFFFE000  }
0xe3: {  	_ =	swait.ge [sflag:s21], $0x2000  }
0xe4: {  	[sflag:s21] =	ssyncset.done $0x0  }
0xe5: {  	[sflag:s21] =	ssyncadd.s32 $0xFFFFE000  }
0xe6: {  	_ =	swait.ge [sflag:s21], $0x4000  }
0xe7: {  	[sflag:s21] =	ssyncset.done $0x0  }
0xe8: {  	s22 =	simm.s32 $0x0;
	[sflag:s21] =	ssyncadd.s32 $0xFFFFC000  }
0xe9: {  	v16 =	vld [tilespmem:s22+$0x8500]  }
0xea: {  	v17 =	vld [tilespmem:s22+$0x8510]  }
0xeb: {  	v2 =	vadd.f32 v14, v2;
	v18 =	vld [tilespmem:s22+$0x8520]  }
0xec: {  	v1 =	vadd.f32 v12, v1;
	v12 =	vmul.f32 v12, v12;
	v20 =	vmul.f32 v13, v13;
	v19 =	vld [tilespmem:s22+$0x8530]  }
0xed: {  	v0 =	vadd.f32 v15, v0;
	v13 =	vadd.f32 v13, v5;
	v14 =	vld [tilespmem:s22+$0x500]  }
0xee: {  	v3 =	vadd.f32 v12, v3;
	v6 =	vadd.f32 v20, v6;
	v5 =	vmul.f32 v8, v8;
	v21 =	vld [tilespmem:s22+$0x510]  }
0xef: {  	v15 =	vadd.f32 v8, v4;
	v63 =	vadd.f32 v9, v7;
	v4 =	vmul.f32 v9, v9;
	v22 =	vld [tilespmem:s22+$0x520]  }
0xf0: {  	v5 =	vadd.f32 v5, v2;
	v2 =	vadd.f32 v10, v1;
	v1 =	vmul.f32 v10, v10;
	s24 =	simm.s32 $0x40;
	v12 =	vld [tilespmem:s22+$0x530]  }
0xf1: {  	v4 =	vadd.f32 v4, v0;
	v7 =	vmul.f32 v11, v11;
	v0 =	vadd.f32 v11, v13;
	v8 =	vld [tilespmem:s24+$0x8500]  }
0xf2: {  	v3 =	vadd.f32 v1, v3;
	v9 =	vld [tilespmem:s24+$0x8510];
	v14 =	vadd.f32 v16, v14  }
0xf3: {  	v1 =	vadd.f32 v7, v6;
	v10 =	vld [tilespmem:s24+$0x8520];
	v16 =	vadd.f32 v17, v21  }
0xf4: {  	v11 =	vld [tilespmem:s24+$0x8530];
	v13 =	vadd.f32 v18, v22;
	[tilespmem:s22+$0x500] =	vst v14;
	v7 =	vadd.f32 v14, v15;
	v15 =	vmul.f32 v14, v14  }
0xf5: {  	s30 =	simm.s32 $0x200;
	v12 =	vadd.f32 v19, v12;
	v6 =	vadd.f32 v16, v63;
	v14 =	vld [tilespmem:s24+$0x500];
	[tilespmem:s22+$0x510] =	vst v16;
	v16 =	vmul.f32 v16, v16  }
.LBB2_10:
0xf6: {  	p0 =	sne.s32 s30, $0xFF00;
	v17 =	vld [tilespmem:s24+$0x510];
	v5 =	vadd.f32 v15, v5;
	[tilespmem:s22+$0x520] =	vst v13;
	v2 =	vadd.f32 v13, v2;
	v21 =	vmul.f32 v13, v13  }
0xf7: {  	v18 =	vld [tilespmem:s24+$0x520];
	v4 =	vadd.f32 v16, v4;
	[tilespmem:s22+$0x530] =	vst v12;
	v0 =	vadd.f32 v12, v0;
	v20 =	vmul.f32 v12, v12;
	s22 =	smov.u32 s24  }
0xf8: {  	v13 =	vmovc v8;
	s24 =	sshra.s32 s30, $0x2;
	v15 =	vmov v9;
	v19 =	vld [tilespmem:s22+$0x530];
	v3 =	vadd.f32 v21, v3;
	v16 =	vmov v10  }
.Ltmp4:
0xf9: {  	v8 =	vld [tilespmem:s24+$0x8500];
	v1 =	vadd.f32 v20, v1;
	v12 =	vmov v11;
	(pc) =	sbr.rel @p0 .LBB2_10-.Ltmp4, $4  }
0xfa: {  	v9 =	vld [tilespmem:s24+$0x8510];
	v13 =	vadd.f32 v13, v14  }
0xfb: {  	v10 =	vld [tilespmem:s24+$0x8520];
	v17 =	vadd.f32 v15, v17  }
0xfc: {  	v11 =	vld [tilespmem:s24+$0x8530];
	[tilespmem:s22+$0x500] =	vst v13;
	v7 =	vadd.f32 v13, v7;
	v15 =	vmul.f32 v13, v13;
	v13 =	vadd.f32 v16, v18  }
0xfd: {  	s30 =	sadd.s32 $0x100, s30;
	v14 =	vld [tilespmem:s24+$0x500];
	[tilespmem:s22+$0x510] =	vst v17;
	v6 =	vadd.f32 v17, v6;
	v16 =	vmul.f32 v17, v17;
	v12 =	vadd.f32 v12, v19  }
0xfe: {  	v17 =	vld [tilespmem:s24+$0x510];
	[tilespmem:s22+$0x520] =	vst v13  }
0xff: {  	v18 =	vld [tilespmem:s24+$0x520];
	[tilespmem:s22+$0x530] =	vst v12  }
0x100: {  	v19 =	vld [tilespmem:s24+$0x530];
	_ =	sdelay $0x1  }
0x101: {  	v8 =	vadd.f32 v8, v14  }
0x102: {  	v9 =	vadd.f32 v9, v17  }
0x103: {  	[tilespmem:s24+$0x500] =	vst v8;
	v10 =	vadd.f32 v10, v18  }
0x104: {  	[tilespmem:s24+$0x510] =	vst v9;
	v11 =	vadd.f32 v11, v19  }
0x105: {  	[tilespmem:s24+$0x520] =	vst v10  }
0x106: {  	[tilespmem:s24+$0x530] =	vst v11  }
0x107: {  	[hbm4b:s13+s2] =	stream.linear.scatter [tilespmem:s18], [sflag:$0x3], $0x4000, $0x38;
	[tilespmem:$0x10580] =	vst v63  }
0x108: {  	_ =	swait.ge [sflag:s29], $0x4000  }
0x109: {  	[sflag:s29] =	ssyncset.done $0x0  }
0x10a: {  	[sflag:s29] =	ssyncadd.s32 $0xFFFFC000  }
0x10b: {  	v5 =	vadd.f32 v15, v5;
	v14 =	vmul.f32 v8, v8;
	_ =	swait.ge [sflag:s1], $0x4000  }
0x10c: {  	v59 =	vmul.f32 v13, v13;
	v7 =	vadd.f32 v8, v7;
	[sflag:s1] =	ssyncset.done $0x0  }
0x10d: {  	v4 =	vadd.f32 v16, v4;
	v60 =	vmul.f32 v9, v9;
	v5 =	vadd.f32 v14, v5;
	[sflag:s1] =	ssyncadd.s32 $0xFFFFC000  }
0x10e: {  	v2 =	vadd.f32 v13, v2;
	v61 =	vmul.f32 v12, v12;
	v6 =	vadd.f32 v9, v6;
	[tilespmem:$0x10500] =	vst v7  }
0x10f: {  	v3 =	vadd.f32 v59, v3;
	v62 =	vmul.f32 v10, v10;
	v4 =	vadd.f32 v60, v4;
	[tilespmem:$0x10540] =	vst v5  }
0x110: {  	v0 =	vadd.f32 v12, v0;
	v2 =	vadd.f32 v10, v2;
	[tilespmem:$0x10510] =	vst v6  }
0x111: {  	v1 =	vadd.f32 v61, v1;
	v63 =	vmul.f32 v11, v11;
	v3 =	vadd.f32 v62, v3;
	[tilespmem:$0x10550] =	vst v4  }
0x112: {  	v0 =	vadd.f32 v11, v0;
	[tilespmem:$0x10520] =	vst v2  }
0x113: {  	s0 =	sadd.s32 $0x1, s0;
	v1 =	vadd.f32 v63, v1;
	[tilespmem:$0x10560] =	vst v3  }
0x114: {  	p0 =	sne.s32 s0, s15;
	[tilespmem:$0x10530] =	vst v0  }
.Ltmp5:
0x115: {  	[tilespmem:$0x10570] =	vst v1;
	(pc) =	sbr.rel @p0 .LBB2_1-.Ltmp5, $4  }
0x116: {  	[hbm4b:s14+s2] =	stream.linear.scatter [tilespmem:s31], [sflag:$0x5], $0x80, $0x38;
	[tilespmem:$0x10580] =	vst v63  }
0x117: {  	_ =	swait.ge [sflag:s16], $0x80  }
0x118: {  	[sflag:s16] =	ssyncset.done $0x0  }
0x119: {  	[sflag:s16] =	ssyncadd.s32 $0xFFFFFF80  }
0x11a: {  	_ =	sfence.sel $0x180000  }
0x11b: {  	[bflag:$0x0] =	sbarrier.arrive $0xFFFF  }
0x11c: {  	_ =	strace $0x90000047  }
0x11d: {  	s0 =	stileid.u32;
	[bflag:$0x2] =	sbarrier.arrive $0xFFFF  }
0x11e: {  	p0 =	sne.s32 s0, $0x0;
	s0 =	rddreg [dreg:$0x2]  }
0x11f: {  	s0 =	sadd.s32 @!p0 $0x100000, s0  }
0x120: {  	[sflag:s0] =	ssyncadd.tile.s32 @!p0 $0x1;
	_ =	shalt  }
.Lfunc_end2:
_tile_overlayer_lowered:
.L_overlay_start_2:
0x121: {  	(tag) =	ssettag $0x2  }
0x122: {  	s0 =	rddreg [dreg:$0x0];
	s2 =	stileid.u32  }
0x123: {  	s1 =	rddreg [dreg:$0x1];
	p0 =	sne.s32 s2, $0x0  }
0x124: {  	s3 =	rddreg [dreg:$0x2];
	[bflag:$0x3] =	sbarrier.arrive $0xFFFF;
	s2 =	simm.s32 @!p0 $0x1C05  }
0x125: {  	[timem:s3], [sflag:s2] =	dma.local @!p0 [hbm:s0], s1  }
0x126: {  	s0 =	simm.s32 @!p0 $0x5  }
0x127: {  	_ =	swait.ge @!p0 [sflag:s0], s1  }
0x128: {  	s1 =	ssub.s32 @!p0 $0x0, s1;
	[sflag:s0] =	ssyncset.done @!p0 $0x0  }
0x129: {  	[sflag:s0] =	ssyncadd.s32 @!p0 s1  }
0x12a: {  	[bflag:$0x3] =	sbarrier.arrive $0xFFFF  }
0x12b: {  	_ =	shalt  }

</sc_bundles>
